<compile_context>
chip_gen: v7x
topology: tpu7x:2x2x1
jax: 0.10.2.dev20260603
libtpu: 0.0.44.dev20260713+nightly
codegen_flags: <defaults>
</compile_context>

<pallas_src>
import functools

import jax
import jax.numpy as jnp
from jax import lax
from jax.experimental import pallas as pl
from jax.experimental.pallas import tpu as pltpu
from jax.experimental.pallas import tpu_sc as plsc

N_NODES = 10000
D = 128
N_EDGES = 320000

NC, NS = 2, 16
NW = NC * NS
CHUNK = 128
K = 80
EP = NW * K * CHUNK
NP = 10240
RPT = NP // NS

_mesh = plsc.VectorSubcoreMesh(
    core_axis_name="c", subcore_axis_name="s", num_cores=NC, num_subcores=NS
)


_deg_wrap = functools.partial(
    pl.kernel,
    out_type=jax.ShapeDtypeStruct((NC, NP), jnp.float32),
    mesh=_mesh,
    scratch_types=[
        pltpu.VMEM((K, CHUNK), jnp.int32),
        pltpu.VMEM((CHUNK,), jnp.float32),
        pltpu.VMEM((RPT,), jnp.float32),
        pltpu.VMEM_SHARED((NP,), jnp.float32),
    ],
)


def _deg_body(dst_hbm, out_hbm, idx_v, ones_v, zeros_v, acc):
    c = lax.axis_index("c")
    s = lax.axis_index("s")
    wid = c * NS + s

    def fill_z(r, _):
        zeros_v[pl.ds(r * 16, 16)] = jnp.zeros((16,), jnp.float32)
        return 0

    lax.fori_loop(0, RPT // 16, fill_z, 0)

    def fill_o(r, _):
        ones_v[pl.ds(r * 16, 16)] = jnp.full((16,), 1.0, jnp.float32)
        return 0

    lax.fori_loop(0, CHUNK // 16, fill_o, 0)

    pltpu.sync_copy(zeros_v, acc.at[pl.ds(s * RPT, RPT)])
    pltpu.sync_copy(dst_hbm.at[wid], idx_v)
    plsc.subcore_barrier()

    def body(j, _):
        pltpu.sync_copy(ones_v, acc.at[idx_v.at[j]], add=True)
        return 0

    lax.fori_loop(0, K, body, 0)
    plsc.subcore_barrier()
    pltpu.sync_copy(acc.at[pl.ds(s * RPT, RPT)], out_hbm.at[c, pl.ds(s * RPT, RPT)])


_msg_wrap = functools.partial(
    pl.kernel,
    out_type=jax.ShapeDtypeStruct((NC, NP, D), jnp.float32),
    mesh=_mesh,
    scratch_types=[
        pltpu.VMEM((2, CHUNK), jnp.int32),
        pltpu.VMEM((2, CHUNK), jnp.int32),
        pltpu.VMEM((2, CHUNK, D), jnp.float32),
        pltpu.VMEM_SHARED((NP, D), jnp.float32),
        pltpu.SemaphoreType.DMA,
        pltpu.SemaphoreType.DMA,
        pltpu.SemaphoreType.DMA,
        pltpu.SemaphoreType.DMA,
        pltpu.SemaphoreType.DMA,
        pltpu.SemaphoreType.DMA,
        pltpu.SemaphoreType.DMA,
        pltpu.SemaphoreType.DMA,
    ],
)


def _msg_body(y_hbm, src_hbm, dst_hbm, out_hbm, src_v, dst_v, buf, acc,
              sem_s0, sem_s1, sem_d0, sem_d1, sem_g0, sem_g1, sem_w0, sem_w1):
    c = lax.axis_index("c")
    s = lax.axis_index("s")
    wid = c * NS + s

    def fill(r, _):
        for q in range(D // 16):
            buf[0, r, pl.ds(q * 16, 16)] = jnp.zeros((16,), jnp.float32)
        return 0

    lax.fori_loop(0, CHUNK, fill, 0)

    def zblk(b, _):
        pltpu.sync_copy(buf.at[0], acc.at[pl.ds(s * RPT + b * CHUNK, CHUNK)])
        return 0

    lax.fori_loop(0, RPT // CHUNK, zblk, 0)
    plsc.subcore_barrier()

    pltpu.async_copy(src_hbm.at[wid, 0], src_v.at[0], sem_s0)
    pltpu.async_copy(src_hbm.at[wid, 1], src_v.at[1], sem_s1)
    pltpu.async_copy(dst_hbm.at[wid, 0], dst_v.at[0], sem_d0)
    pltpu.async_copy(dst_hbm.at[wid, 1], dst_v.at[1], sem_d1)
    pltpu.make_async_copy(src_hbm.at[wid, 0], src_v.at[0], sem_s0).wait()
    pltpu.async_copy(y_hbm.at[src_v.at[0]], buf.at[0], sem_g0)

    def body(t, _):
        j0 = 2 * t
        more = t + 1 < K // 2

        pltpu.make_async_copy(src_hbm.at[wid, j0 + 1], src_v.at[1], sem_s1).wait()
        pltpu.make_async_copy(y_hbm.at[src_v.at[0]], buf.at[0], sem_g0).wait()

        @pl.when(t > 0)
        def _():
            pltpu.make_async_copy(buf.at[1], acc.at[dst_v.at[1]], sem_w1).wait()
            pltpu.async_copy(dst_hbm.at[wid, j0 + 1], dst_v.at[1], sem_d1)

        pltpu.async_copy(y_hbm.at[src_v.at[1]], buf.at[1], sem_g1)

        pltpu.make_async_copy(dst_hbm.at[wid, j0], dst_v.at[0], sem_d0).wait()
        pltpu.async_copy(buf.at[0], acc.at[dst_v.at[0]], sem_w0, add=True)

        @pl.when(more)
        def _():
            pltpu.async_copy(src_hbm.at[wid, j0 + 2], src_v.at[0], sem_s0)

        pltpu.make_async_copy(y_hbm.at[src_v.at[1]], buf.at[1], sem_g1).wait()
        pltpu.make_async_copy(buf.at[0], acc.at[dst_v.at[0]], sem_w0).wait()

        @pl.when(more)
        def _():
            pltpu.async_copy(dst_hbm.at[wid, j0 + 2], dst_v.at[0], sem_d0)
            pltpu.make_async_copy(src_hbm.at[wid, j0 + 2], src_v.at[0], sem_s0).wait()
            pltpu.async_copy(y_hbm.at[src_v.at[0]], buf.at[0], sem_g0)

        pltpu.make_async_copy(dst_hbm.at[wid, j0 + 1], dst_v.at[1], sem_d1).wait()
        pltpu.async_copy(buf.at[1], acc.at[dst_v.at[1]], sem_w1, add=True)

        @pl.when(more)
        def _():
            pltpu.async_copy(src_hbm.at[wid, j0 + 3], src_v.at[1], sem_s1)

        return 0

    lax.fori_loop(0, K // 2, body, 0)
    pltpu.make_async_copy(buf.at[1], acc.at[dst_v.at[1]], sem_w1).wait()
    plsc.subcore_barrier()
    pltpu.sync_copy(acc.at[pl.ds(s * RPT, RPT)], out_hbm.at[c, pl.ds(s * RPT, RPT)])


_deg_kernel = _deg_wrap(_deg_body)
_msg_kernel = _msg_wrap(_msg_body)


def _tc_pre_body(x_ref, w_ref, deg_ref, xw_ref, y_ref):
    xw = jnp.dot(x_ref[...], w_ref[...], preferred_element_type=jnp.float32)
    deg = deg_ref[0, 0:N_NODES, :] + deg_ref[1, 0:N_NODES, :] + 1.0
    dinv = lax.rsqrt(deg)
    xw_ref[...] = xw
    y_ref[...] = xw * dinv


def _tc_pre(x, W1, degp):
    return pl.pallas_call(
        _tc_pre_body,
        out_shape=(
            jax.ShapeDtypeStruct((N_NODES, D), jnp.float32),
            jax.ShapeDtypeStruct((N_NODES, D), jnp.float32),
        ),
    )(x, W1, degp)


def _tc_mid_body(z_ref, deg_ref, xw1_ref, w2_ref, b1_ref, xw2_ref, y2_ref):
    z = z_ref[0, 0:N_NODES, :] + z_ref[1, 0:N_NODES, :]
    deg = deg_ref[0, 0:N_NODES, :] + deg_ref[1, 0:N_NODES, :] + 1.0
    dinv = lax.rsqrt(deg)
    h = jnp.maximum(z * dinv + xw1_ref[...] * (dinv * dinv) + b1_ref[...], 0.0)
    xw2 = jnp.dot(h, w2_ref[...], preferred_element_type=jnp.float32)
    xw2_ref[...] = xw2
    y2_ref[...] = xw2 * dinv


def _tc_mid(z1p, degp, xw1, W2, b1):
    return pl.pallas_call(
        _tc_mid_body,
        out_shape=(
            jax.ShapeDtypeStruct((N_NODES, D), jnp.float32),
            jax.ShapeDtypeStruct((N_NODES, D), jnp.float32),
        ),
    )(z1p, degp, xw1, W2, b1)


def _tc_post_body(z_ref, deg_ref, xw2_ref, b2_ref, out_ref):
    z = z_ref[0, 0:N_NODES, :] + z_ref[1, 0:N_NODES, :]
    deg = deg_ref[0, 0:N_NODES, :] + deg_ref[1, 0:N_NODES, :] + 1.0
    dinv = lax.rsqrt(deg)
    out_ref[...] = z * dinv + xw2_ref[...] * (dinv * dinv) + b2_ref[...]


def _tc_post(z2p, degp, xw2, b2):
    return pl.pallas_call(
        _tc_post_body,
        out_shape=jax.ShapeDtypeStruct((N_NODES, D), jnp.float32),
    )(z2p, degp, xw2, b2)


def kernel(basic_block, edge_index, W1, b1, W2, b2):
    src = edge_index[0].astype(jnp.int32)
    dst = edge_index[1].astype(jnp.int32)
    pad = EP - N_EDGES
    src_p = jnp.concatenate([src, jnp.zeros((pad,), jnp.int32)]).reshape(NW, K, CHUNK)
    dst_p = jnp.concatenate([dst, jnp.full((pad,), NP - 1, jnp.int32)]).reshape(NW, K, CHUNK)

    degp = _deg_kernel(dst_p).reshape(NC, NP, 1)
    xw1, y1 = _tc_pre(basic_block, W1, degp)
    z1p = _msg_kernel(y1, src_p, dst_p)
    xw2, y2 = _tc_mid(z1p, degp, xw1, W2, b1.reshape(1, D))
    z2p = _msg_kernel(y2, src_p, dst_p)
    return _tc_post(z2p, degp, xw2, b2.reshape(1, D))

# --- scband reference (transcript-rebuilt; emitter-appended) ---
"""Pipeline reference for scband-encoder-89352499626364 (READ-ONLY COPY).

The authoritative reference and input builder live on the scoring server;
editing this copy changes nothing except your own understanding.
"""

import jax, jax.numpy as jnp
import numpy as np

N_NODES = 10000
N_EDGES = 320000
D_IN = 128
D_HID = 128


def setup_inputs(seed: int = 0) -> dict:
    key = jax.random.key(seed)
    k1, k2, k3, k4, k5, k6 = jax.random.split(key, 6)
    basic_block = jax.random.normal(k1, (N_NODES, D_IN), dtype=jnp.float32)
    edge_index = jax.random.randint(k2, (2, N_EDGES), 0, N_NODES, dtype=jnp.int64)
    # GCNConv weights (glorot-ish init)
    s1 = 1.0 / np.sqrt(D_IN)
    s2 = 1.0 / np.sqrt(D_HID)
    W1 = jax.random.uniform(k3, (D_IN, D_HID), dtype=jnp.float32, minval=-s1, maxval=s1)
    b1 = jnp.zeros((D_HID,), dtype=jnp.float32)
    W2 = jax.random.uniform(k4, (D_HID, D_HID), dtype=jnp.float32, minval=-s2, maxval=s2)
    b2 = jnp.zeros((D_HID,), dtype=jnp.float32)
    return {"basic_block": basic_block, "edge_index": edge_index,
            "W1": W1, "b1": b1, "W2": W2, "b2": b2}


def _gcn_conv(x, src, dst, W, b, n_nodes):
    # GCNConv: add self-loops, symmetric normalization D^-1/2 (A+I) D^-1/2 X W + b
    loop = jnp.arange(n_nodes, dtype=src.dtype)
    src_sl = jnp.concatenate([src, loop])
    dst_sl = jnp.concatenate([dst, loop])
    deg = jnp.zeros((n_nodes,), dtype=x.dtype).at[dst_sl].add(1.0)
    dinv = jnp.where(deg > 0, deg ** -0.5, 0.0)
    norm = dinv[src_sl] * dinv[dst_sl]
    xw = x @ W
    msg = jnp.take(xw, src_sl, axis=0) * norm[:, None]
    out = jnp.zeros_like(xw).at[dst_sl].add(msg)
    return out + b


def reference(basic_block, edge_index, W1, b1, W2, b2):
    src = edge_index[0]
    dst = edge_index[1]
    n = basic_block.shape[0]
    x = jax.nn.relu(_gcn_conv(basic_block, src, dst, W1, b1, n))
    x = _gcn_conv(x, src, dst, W2, b2, n)
    return x

if __name__ == "__main__":
    import jax
    _d = setup_inputs()
    print(jax.jit(kernel)(*tuple(_d.values())))

</pallas_src>

<mosaic_0001>
#map = affine_map<(d0, d1) -> (0, 0)>
#map1 = affine_map<(d0, d1) -> (0, 0, 0)>
module attributes {stable_mosaic.version = 14 : i64} {
  func.func @_msg_body(%arg0: i32, %arg1: i32, %arg2: memref<10000x128xf32, #tpu.memory_space<hbm>>, %arg3: memref<32x80x128xi32, #tpu.memory_space<hbm>>, %arg4: memref<32x80x128xi32, #tpu.memory_space<hbm>>, %arg5: memref<2x10240x128xf32, #tpu.memory_space<hbm>>, %arg6: memref<2x128xi32, #tpu.memory_space<vmem>>, %arg7: memref<2x128xi32, #tpu.memory_space<vmem>>, %arg8: memref<2x128x128xf32, #tpu.memory_space<vmem>>, %arg9: memref<10240x128xf32, #tpu.memory_space<vmem_shared>>, %arg10: memref<!tpu.dma_semaphore, #tpu.memory_space<semaphore_mem>>, %arg11: memref<!tpu.dma_semaphore, #tpu.memory_space<semaphore_mem>>, %arg12: memref<!tpu.dma_semaphore, #tpu.memory_space<semaphore_mem>>, %arg13: memref<!tpu.dma_semaphore, #tpu.memory_space<semaphore_mem>>, %arg14: memref<!tpu.dma_semaphore, #tpu.memory_space<semaphore_mem>>, %arg15: memref<!tpu.dma_semaphore, #tpu.memory_space<semaphore_mem>>, %arg16: memref<!tpu.dma_semaphore, #tpu.memory_space<semaphore_mem>>, %arg17: memref<!tpu.dma_semaphore, #tpu.memory_space<semaphore_mem>>) attributes {dimension_semantics = [#tpu.dimension_semantics<core_parallel>, #tpu.dimension_semantics<subcore_parallel>], iteration_bounds = array<i64: 2, 16>, scalar_prefetch = 0 : i64, scratch_operands = 12 : i64, tpu.core_type = #tpu.core_type<sc_vector_subcore>, window_params = [{transform_indices = #map}, {transform_indices = #map1}, {transform_indices = #map1}, {transform_indices = #map1}]} {
    %mul3A = arith.constant 16 : i32
    %mul3A_0 = arith.muli %arg0, %mul3A : i32
    %add3A = arith.addi %mul3A_0, %arg1 : i32
    %scan3A = arith.constant 0 : i32
    %scan3A_1 = arith.constant 0 : i32
    %scan3A_2 = arith.constant 128 : i32
    %scan3A_3 = arith.addi %scan3A_1, %scan3A_2 : i32
    %scan3A_4 = arith.constant 1 : i32
    %scan3A_5 = scf.for %scan3A_118 = %scan3A_1 to %scan3A_3 step %scan3A_4 iter_args(%scan3A_119 = %scan3A) -> (i32)  : i32 {
      %broadcast_in_dim3A = arith.constant 0.000000e+00 : f32
      %broadcast_in_dim3A_120 = vector.broadcast %broadcast_in_dim3A : f32 to vector<16xf32>
      %swap3A = arith.constant 0 : i32
      %swap3A_121 = arith.index_cast %swap3A : i32 to index
      %swap3A_122 = arith.index_cast %scan3A_118 : i32 to index
      %swap3A_123 = arith.constant 0 : index
      %swap3A_124 = tpu.vector_load %arg8[%swap3A_121, %swap3A_122, %swap3A_123] {strides = array<i32>} : memref<2x128x128xf32, #tpu.memory_space<vmem>>, vector<1x1x16xf32>,
      %swap3A_125 = vector.shape_cast %swap3A_124 : vector<1x1x16xf32> to vector<16xf32>
      %swap3A_126 = vector.shape_cast %broadcast_in_dim3A_120 : vector<16xf32> to vector<1x1x16xf32>
      tpu.vector_store %arg8[%swap3A_121, %swap3A_122, %swap3A_123], %swap3A_126 {strides = array<i32>} : memref<2x128x128xf32, #tpu.memory_space<vmem>>, vector<1x1x16xf32>,
      %broadcast_in_dim3A_127 = arith.constant 0.000000e+00 : f32
      %broadcast_in_dim3A_128 = vector.broadcast %broadcast_in_dim3A_127 : f32 to vector<16xf32>
      %swap3A_129 = arith.constant 0 : i32
      %swap3A_130 = arith.index_cast %swap3A_129 : i32 to index
      %swap3A_131 = arith.index_cast %scan3A_118 : i32 to index
      %swap3A_132 = arith.constant 16 : index
      %swap3A_133 = tpu.vector_load %arg8[%swap3A_130, %swap3A_131, %swap3A_132] {strides = array<i32>} : memref<2x128x128xf32, #tpu.memory_space<vmem>>, vector<1x1x16xf32>,
      %swap3A_134 = vector.shape_cast %swap3A_133 : vector<1x1x16xf32> to vector<16xf32>
      %swap3A_135 = vector.shape_cast %broadcast_in_dim3A_128 : vector<16xf32> to vector<1x1x16xf32>
      tpu.vector_store %arg8[%swap3A_130, %swap3A_131, %swap3A_132], %swap3A_135 {strides = array<i32>} : memref<2x128x128xf32, #tpu.memory_space<vmem>>, vector<1x1x16xf32>,
      %broadcast_in_dim3A_136 = arith.constant 0.000000e+00 : f32
      %broadcast_in_dim3A_137 = vector.broadcast %broadcast_in_dim3A_136 : f32 to vector<16xf32>
      %swap3A_138 = arith.constant 0 : i32
      %swap3A_139 = arith.index_cast %swap3A_138 : i32 to index
      %swap3A_140 = arith.index_cast %scan3A_118 : i32 to index
      %swap3A_141 = arith.constant 32 : index
      %swap3A_142 = tpu.vector_load %arg8[%swap3A_139, %swap3A_140, %swap3A_141] {strides = array<i32>} : memref<2x128x128xf32, #tpu.memory_space<vmem>>, vector<1x1x16xf32>,
      %swap3A_143 = vector.shape_cast %swap3A_142 : vector<1x1x16xf32> to vector<16xf32>
      %swap3A_144 = vector.shape_cast %broadcast_in_dim3A_137 : vector<16xf32> to vector<1x1x16xf32>
      tpu.vector_store %arg8[%swap3A_139, %swap3A_140, %swap3A_141], %swap3A_144 {strides = array<i32>} : memref<2x128x128xf32, #tpu.memory_space<vmem>>, vector<1x1x16xf32>,
      %broadcast_in_dim3A_145 = arith.constant 0.000000e+00 : f32
      %broadcast_in_dim3A_146 = vector.broadcast %broadcast_in_dim3A_145 : f32 to vector<16xf32>
      %swap3A_147 = arith.constant 0 : i32
      %swap3A_148 = arith.index_cast %swap3A_147 : i32 to index
      %swap3A_149 = arith.index_cast %scan3A_118 : i32 to index
      %swap3A_150 = arith.constant 48 : index
      %swap3A_151 = tpu.vector_load %arg8[%swap3A_148, %swap3A_149, %swap3A_150] {strides = array<i32>} : memref<2x128x128xf32, #tpu.memory_space<vmem>>, vector<1x1x16xf32>,
      %swap3A_152 = vector.shape_cast %swap3A_151 : vector<1x1x16xf32> to vector<16xf32>
      %swap3A_153 = vector.shape_cast %broadcast_in_dim3A_146 : vector<16xf32> to vector<1x1x16xf32>
      tpu.vector_store %arg8[%swap3A_148, %swap3A_149, %swap3A_150], %swap3A_153 {strides = array<i32>} : memref<2x128x128xf32, #tpu.memory_space<vmem>>, vector<1x1x16xf32>,
      %broadcast_in_dim3A_154 = arith.constant 0.000000e+00 : f32
      %broadcast_in_dim3A_155 = vector.broadcast %broadcast_in_dim3A_154 : f32 to vector<16xf32>
      %swap3A_156 = arith.constant 0 : i32
      %swap3A_157 = arith.index_cast %swap3A_156 : i32 to index
      %swap3A_158 = arith.index_cast %scan3A_118 : i32 to index
      %swap3A_159 = arith.constant 64 : index
      %swap3A_160 = tpu.vector_load %arg8[%swap3A_157, %swap3A_158, %swap3A_159] {strides = array<i32>} : memref<2x128x128xf32, #tpu.memory_space<vmem>>, vector<1x1x16xf32>,
      %swap3A_161 = vector.shape_cast %swap3A_160 : vector<1x1x16xf32> to vector<16xf32>
      %swap3A_162 = vector.shape_cast %broadcast_in_dim3A_155 : vector<16xf32> to vector<1x1x16xf32>
      tpu.vector_store %arg8[%swap3A_157, %swap3A_158, %swap3A_159], %swap3A_162 {strides = array<i32>} : memref<2x128x128xf32, #tpu.memory_space<vmem>>, vector<1x1x16xf32>,
      %broadcast_in_dim3A_163 = arith.constant 0.000000e+00 : f32
      %broadcast_in_dim3A_164 = vector.broadcast %broadcast_in_dim3A_163 : f32 to vector<16xf32>
      %swap3A_165 = arith.constant 0 : i32
      %swap3A_166 = arith.index_cast %swap3A_165 : i32 to index
      %swap3A_167 = arith.index_cast %scan3A_118 : i32 to index
      %swap3A_168 = arith.constant 80 : index
      %swap3A_169 = tpu.vector_load %arg8[%swap3A_166, %swap3A_167, %swap3A_168] {strides = array<i32>} : memref<2x128x128xf32, #tpu.memory_space<vmem>>, vector<1x1x16xf32>,
      %swap3A_170 = vector.shape_cast %swap3A_169 : vector<1x1x16xf32> to vector<16xf32>
      %swap3A_171 = vector.shape_cast %broadcast_in_dim3A_164 : vector<16xf32> to vector<1x1x16xf32>
      tpu.vector_store %arg8[%swap3A_166, %swap3A_167, %swap3A_168], %swap3A_171 {strides = array<i32>} : memref<2x128x128xf32, #tpu.memory_space<vmem>>, vector<1x1x16xf32>,
      %broadcast_in_dim3A_172 = arith.constant 0.000000e+00 : f32
      %broadcast_in_dim3A_173 = vector.broadcast %broadcast_in_dim3A_172 : f32 to vector<16xf32>
      %swap3A_174 = arith.constant 0 : i32
      %swap3A_175 = arith.index_cast %swap3A_174 : i32 to index
      %swap3A_176 = arith.index_cast %scan3A_118 : i32 to index
      %swap3A_177 = arith.constant 96 : index
      %swap3A_178 = tpu.vector_load %arg8[%swap3A_175, %swap3A_176, %swap3A_177] {strides = array<i32>} : memref<2x128x128xf32, #tpu.memory_space<vmem>>, vector<1x1x16xf32>,
      %swap3A_179 = vector.shape_cast %swap3A_178 : vector<1x1x16xf32> to vector<16xf32>
      %swap3A_180 = vector.shape_cast %broadcast_in_dim3A_173 : vector<16xf32> to vector<1x1x16xf32>
      tpu.vector_store %arg8[%swap3A_175, %swap3A_176, %swap3A_177], %swap3A_180 {strides = array<i32>} : memref<2x128x128xf32, #tpu.memory_space<vmem>>, vector<1x1x16xf32>,
      %broadcast_in_dim3A_181 = arith.constant 0.000000e+00 : f32
      %broadcast_in_dim3A_182 = vector.broadcast %broadcast_in_dim3A_181 : f32 to vector<16xf32>
      %swap3A_183 = arith.constant 0 : i32
      %swap3A_184 = arith.index_cast %swap3A_183 : i32 to index
      %swap3A_185 = arith.index_cast %scan3A_118 : i32 to index
      %swap3A_186 = arith.constant 112 : index
      %swap3A_187 = tpu.vector_load %arg8[%swap3A_184, %swap3A_185, %swap3A_186] {strides = array<i32>} : memref<2x128x128xf32, #tpu.memory_space<vmem>>, vector<1x1x16xf32>,
      %swap3A_188 = vector.shape_cast %swap3A_187 : vector<1x1x16xf32> to vector<16xf32>
      %swap3A_189 = vector.shape_cast %broadcast_in_dim3A_182 : vector<16xf32> to vector<1x1x16xf32>
      tpu.vector_store %arg8[%swap3A_184, %swap3A_185, %swap3A_186], %swap3A_189 {strides = array<i32>} : memref<2x128x128xf32, #tpu.memory_space<vmem>>, vector<1x1x16xf32>,
      %scan3A_190 = arith.constant 0 : i32
      scf.yield %scan3A_190 : i32
    }
    %scan3A_6 = arith.constant 128 : i32
    %scan3A_7 = arith.constant 0 : i32
    %scan3A_8 = arith.constant 0 : i32
    %scan3A_9 = arith.constant 5 : i32
    %scan3A_10 = arith.addi %scan3A_8, %scan3A_9 : i32
    %scan3A_11 = arith.constant 1 : i32
    %scan3A_12 = scf.for %scan3A_118 = %scan3A_8 to %scan3A_10 step %scan3A_11 iter_args(%scan3A_119 = %scan3A_7) -> (i32)  : i32 {
      %mul3A_120 = arith.constant 640 : i32
      %mul3A_121 = arith.muli %arg1, %mul3A_120 : i32
      %mul3A_122 = arith.constant 128 : i32
      %mul3A_123 = arith.muli %scan3A_118, %mul3A_122 : i32
      %add3A_124 = arith.addi %mul3A_121, %mul3A_123 : i32
      %run_scoped3A = arith.constant 0 : i32
      "tpu.region"() ({
        %run_scoped3A_126 = tpu.sem_alloc : memref<!tpu.dma_semaphore, #tpu.memory_space<semaphore_mem>>
        %dma_start3A_127 = arith.constant 0 : i32
        %dma_start3A_128 = arith.constant 0 : i32
        %dma_start3A_129 = tpu.memref_slice %arg8[%run_scoped3A, %dma_start3A_127, %dma_start3A_128] : memref<2x128x128xf32, #tpu.memory_space<vmem>> -> memref<1x128x128xf32, #tpu.memory_space<vmem>>
        %dma_start3A_130 = tpu.memref_squeeze %dma_start3A_129 : memref<1x128x128xf32, #tpu.memory_space<vmem>> -> memref<128x128xf32, #tpu.memory_space<vmem>>
        %dma_start3A_131 = arith.constant 0 : i32
        %dma_start3A_132 = tpu.memref_slice %arg9[%add3A_124, %dma_start3A_131] : memref<10240x128xf32, #tpu.memory_space<vmem_shared>> -> memref<128x128xf32, #tpu.memory_space<vmem_shared>>
        %dma_start3A_133 = arith.constant 0 : i32
        %dma_start3A_134 = tpu.memref_slice %arg9[%add3A_124, %dma_start3A_133] : memref<10240x128xf32, #tpu.memory_space<vmem_shared>> -> memref<128x128xf32, #tpu.memory_space<vmem_shared>>
        %dma_start3A_135 = arith.constant 0 : i32
        %dma_start3A_136 = arith.constant 0 : i32
        %dma_start3A_137 = tpu.memref_slice %arg8[%run_scoped3A, %dma_start3A_135, %dma_start3A_136] : memref<2x128x128xf32, #tpu.memory_space<vmem>> -> memref<1x128x128xf32, #tpu.memory_space<vmem>>
        %dma_start3A_138 = tpu.memref_squeeze %dma_start3A_137 : memref<1x128x128xf32, #tpu.memory_space<vmem>> -> memref<128x128xf32, #tpu.memory_space<vmem>>
        tpu.enqueue_dma source(%dma_start3A_138 : memref<128x128xf32, #tpu.memory_space<vmem>>) target(%dma_start3A_134 : memref<128x128xf32, #tpu.memory_space<vmem_shared>>) target_semaphore(%run_scoped3A_126 : memref<!tpu.dma_semaphore, #tpu.memory_space<semaphore_mem>>)
        %dma_wait3A_139 = arith.constant 0 : i32
        %dma_wait3A_140 = arith.constant 0 : i32
        %dma_wait3A_141 = tpu.memref_slice %arg8[%run_scoped3A, %dma_wait3A_139, %dma_wait3A_140] : memref<2x128x128xf32, #tpu.memory_space<vmem>> -> memref<1x128x128xf32, #tpu.memory_space<vmem>>
        %dma_wait3A_142 = tpu.memref_squeeze %dma_wait3A_141 : memref<1x128x128xf32, #tpu.memory_space<vmem>> -> memref<128x128xf32, #tpu.memory_space<vmem>>
        %dma_wait3A_143 = arith.constant 0 : i32
        %dma_wait3A_144 = tpu.memref_slice %arg9[%add3A_124, %dma_wait3A_143] : memref<10240x128xf32, #tpu.memory_space<vmem_shared>> -> memref<128x128xf32, #tpu.memory_space<vmem_shared>>
        %dma_wait3A_145 = arith.constant 0 : i32
        %dma_wait3A_146 = tpu.memref_slice %arg9[%add3A_124, %dma_wait3A_145] : memref<10240x128xf32, #tpu.memory_space<vmem_shared>> -> memref<128x128xf32, #tpu.memory_space<vmem_shared>>
        %dma_wait3A_147 = arith.constant 0 : i32
        %dma_wait3A_148 = arith.constant 0 : i32
        %dma_wait3A_149 = tpu.memref_slice %arg8[%run_scoped3A, %dma_wait3A_147, %dma_wait3A_148] : memref<2x128x128xf32, #tpu.memory_space<vmem>> -> memref<1x128x128xf32, #tpu.memory_space<vmem>>
        %dma_wait3A_150 = tpu.memref_squeeze %dma_wait3A_149 : memref<1x128x128xf32, #tpu.memory_space<vmem>> -> memref<128x128xf32, #tpu.memory_space<vmem>>
        tpu.wait_dma2 semaphore(%run_scoped3A_126 : memref<!tpu.dma_semaphore, #tpu.memory_space<semaphore_mem>>) src(%dma_wait3A_150 : memref<128x128xf32, #tpu.memory_space<vmem>>) dst(%dma_wait3A_146 : memref<128x128xf32, #tpu.memory_space<vmem_shared>>)
        tpu.yield
      }) : () -> ()
      %scan3A_125 = arith.constant 0 : i32
      scf.yield %scan3A_125 : i32
    }
    %scan3A_13 = arith.constant 5 : i32
    %barrier3A = arith.constant 0 : index
    tpu.barrier barrier_id(%barrier3A)
    %dma_start3A = arith.constant 0 : i32
    %dma_start3A_14 = arith.constant 0 : i32
    %dma_start3A_15 = arith.constant 0 : i32
    %dma_start3A_16 = tpu.memref_slice %arg6[%dma_start3A_14, %dma_start3A_15] : memref<2x128xi32, #tpu.memory_space<vmem>> -> memref<1x128xi32, #tpu.memory_space<vmem>>
    %dma_start3A_17 = tpu.memref_squeeze %dma_start3A_16 : memref<1x128xi32, #tpu.memory_space<vmem>> -> memref<128xi32, #tpu.memory_space<vmem>>
    %dma_start3A_18 = arith.constant 0 : i32
    %dma_start3A_19 = tpu.memref_slice %arg3[%add3A, %dma_start3A, %dma_start3A_18] : memref<32x80x128xi32, #tpu.memory_space<hbm>> -> memref<1x1x128xi32, #tpu.memory_space<hbm>>
    %dma_start3A_20 = tpu.memref_squeeze %dma_start3A_19 : memref<1x1x128xi32, #tpu.memory_space<hbm>> -> memref<128xi32, #tpu.memory_space<hbm>>
    %dma_start3A_21 = arith.constant 0 : i32
    %dma_start3A_22 = tpu.memref_slice %arg6[%dma_start3A_14, %dma_start3A_21] : memref<2x128xi32, #tpu.memory_space<vmem>> -> memref<1x128xi32, #tpu.memory_space<vmem>>
    %dma_start3A_23 = tpu.memref_squeeze %dma_start3A_22 : memref<1x128xi32, #tpu.memory_space<vmem>> -> memref<128xi32, #tpu.memory_space<vmem>>
    %dma_start3A_24 = arith.constant 0 : i32
    %dma_start3A_25 = tpu.memref_slice %arg3[%add3A, %dma_start3A, %dma_start3A_24] : memref<32x80x128xi32, #tpu.memory_space<hbm>> -> memref<1x1x128xi32, #tpu.memory_space<hbm>>
    %dma_start3A_26 = tpu.memref_squeeze %dma_start3A_25 : memref<1x1x128xi32, #tpu.memory_space<hbm>> -> memref<128xi32, #tpu.memory_space<hbm>>
    tpu.enqueue_dma source(%dma_start3A_26 : memref<128xi32, #tpu.memory_space<hbm>>) target(%dma_start3A_23 : memref<128xi32, #tpu.memory_space<vmem>>) target_semaphore(%arg10 : memref<!tpu.dma_semaphore, #tpu.memory_space<semaphore_mem>>)
    %dma_start3A_27 = arith.constant 1 : i32
    %dma_start3A_28 = arith.constant 1 : i32
    %dma_start3A_29 = arith.constant 0 : i32
    %dma_start3A_30 = tpu.memref_slice %arg6[%dma_start3A_28, %dma_start3A_29] : memref<2x128xi32, #tpu.memory_space<vmem>> -> memref<1x128xi32, #tpu.memory_space<vmem>>
    %dma_start3A_31 = tpu.memref_squeeze %dma_start3A_30 : memref<1x128xi32, #tpu.memory_space<vmem>> -> memref<128xi32, #tpu.memory_space<vmem>>
    %dma_start3A_32 = arith.constant 0 : i32
    %dma_start3A_33 = tpu.memref_slice %arg3[%add3A, %dma_start3A_27, %dma_start3A_32] : memref<32x80x128xi32, #tpu.memory_space<hbm>> -> memref<1x1x128xi32, #tpu.memory_space<hbm>>
    %dma_start3A_34 = tpu.memref_squeeze %dma_start3A_33 : memref<1x1x128xi32, #tpu.memory_space<hbm>> -> memref<128xi32, #tpu.memory_space<hbm>>
    %dma_start3A_35 = arith.constant 0 : i32
    %dma_start3A_36 = tpu.memref_slice %arg6[%dma_start3A_28, %dma_start3A_35] : memref<2x128xi32, #tpu.memory_space<vmem>> -> memref<1x128xi32, #tpu.memory_space<vmem>>
    %dma_start3A_37 = tpu.memref_squeeze %dma_start3A_36 : memref<1x128xi32, #tpu.memory_space<vmem>> -> memref<128xi32, #tpu.memory_space<vmem>>
    %dma_start3A_38 = arith.constant 0 : i32
    %dma_start3A_39 = tpu.memref_slice %arg3[%add3A, %dma_start3A_27, %dma_start3A_38] : memref<32x80x128xi32, #tpu.memory_space<hbm>> -> memref<1x1x128xi32, #tpu.memory_space<hbm>>
    %dma_start3A_40 = tpu.memref_squeeze %dma_start3A_39 : memref<1x1x128xi32, #tpu.memory_space<hbm>> -> memref<128xi32, #tpu.memory_space<hbm>>
    tpu.enqueue_dma source(%dma_start3A_40 : memref<128xi32, #tpu.memory_space<hbm>>) target(%dma_start3A_37 : memref<128xi32, #tpu.memory_space<vmem>>) target_semaphore(%arg11 : memref<!tpu.dma_semaphore, #tpu.memory_space<semaphore_mem>>)
    %dma_start3A_41 = arith.constant 0 : i32
    %dma_start3A_42 = arith.constant 0 : i32
    %dma_start3A_43 = arith.constant 0 : i32
    %dma_start3A_44 = tpu.memref_slice %arg7[%dma_start3A_42, %dma_start3A_43] : memref<2x128xi32, #tpu.memory_space<vmem>> -> memref<1x128xi32, #tpu.memory_space<vmem>>
    %dma_start3A_45 = tpu.memref_squeeze %dma_start3A_44 : memref<1x128xi32, #tpu.memory_space<vmem>> -> memref<128xi32, #tpu.memory_space<vmem>>
    %dma_start3A_46 = arith.constant 0 : i32
    %dma_start3A_47 = tpu.memref_slice %arg4[%add3A, %dma_start3A_41, %dma_start3A_46] : memref<32x80x128xi32, #tpu.memory_space<hbm>> -> memref<1x1x128xi32, #tpu.memory_space<hbm>>
    %dma_start3A_48 = tpu.memref_squeeze %dma_start3A_47 : memref<1x1x128xi32, #tpu.memory_space<hbm>> -> memref<128xi32, #tpu.memory_space<hbm>>
    %dma_start3A_49 = arith.constant 0 : i32
    %dma_start3A_50 = tpu.memref_slice %arg7[%dma_start3A_42, %dma_start3A_49] : memref<2x128xi32, #tpu.memory_space<vmem>> -> memref<1x128xi32, #tpu.memory_space<vmem>>
    %dma_start3A_51 = tpu.memref_squeeze %dma_start3A_50 : memref<1x128xi32, #tpu.memory_space<vmem>> -> memref<128xi32, #tpu.memory_space<vmem>>
    %dma_start3A_52 = arith.constant 0 : i32
    %dma_start3A_53 = tpu.memref_slice %arg4[%add3A, %dma_start3A_41, %dma_start3A_52] : memref<32x80x128xi32, #tpu.memory_space<hbm>> -> memref<1x1x128xi32, #tpu.memory_space<hbm>>
    %dma_start3A_54 = tpu.memref_squeeze %dma_start3A_53 : memref<1x1x128xi32, #tpu.memory_space<hbm>> -> memref<128xi32, #tpu.memory_space<hbm>>
    tpu.enqueue_dma source(%dma_start3A_54 : memref<128xi32, #tpu.memory_space<hbm>>) target(%dma_start3A_51 : memref<128xi32, #tpu.memory_space<vmem>>) target_semaphore(%arg12 : memref<!tpu.dma_semaphore, #tpu.memory_space<semaphore_mem>>)
    %dma_start3A_55 = arith.constant 1 : i32
    %dma_start3A_56 = arith.constant 1 : i32
    %dma_start3A_57 = arith.constant 0 : i32
    %dma_start3A_58 = tpu.memref_slice %arg7[%dma_start3A_56, %dma_start3A_57] : memref<2x128xi32, #tpu.memory_space<vmem>> -> memref<1x128xi32, #tpu.memory_space<vmem>>
    %dma_start3A_59 = tpu.memref_squeeze %dma_start3A_58 : memref<1x128xi32, #tpu.memory_space<vmem>> -> memref<128xi32, #tpu.memory_space<vmem>>
    %dma_start3A_60 = arith.constant 0 : i32
    %dma_start3A_61 = tpu.memref_slice %arg4[%add3A, %dma_start3A_55, %dma_start3A_60] : memref<32x80x128xi32, #tpu.memory_space<hbm>> -> memref<1x1x128xi32, #tpu.memory_space<hbm>>
    %dma_start3A_62 = tpu.memref_squeeze %dma_start3A_61 : memref<1x1x128xi32, #tpu.memory_space<hbm>> -> memref<128xi32, #tpu.memory_space<hbm>>
    %dma_start3A_63 = arith.constant 0 : i32
    %dma_start3A_64 = tpu.memref_slice %arg7[%dma_start3A_56, %dma_start3A_63] : memref<2x128xi32, #tpu.memory_space<vmem>> -> memref<1x128xi32, #tpu.memory_space<vmem>>
    %dma_start3A_65 = tpu.memref_squeeze %dma_start3A_64 : memref<1x128xi32, #tpu.memory_space<vmem>> -> memref<128xi32, #tpu.memory_space<vmem>>
    %dma_start3A_66 = arith.constant 0 : i32
    %dma_start3A_67 = tpu.memref_slice %arg4[%add3A, %dma_start3A_55, %dma_start3A_66] : memref<32x80x128xi32, #tpu.memory_space<hbm>> -> memref<1x1x128xi32, #tpu.memory_space<hbm>>
    %dma_start3A_68 = tpu.memref_squeeze %dma_start3A_67 : memref<1x1x128xi32, #tpu.memory_space<hbm>> -> memref<128xi32, #tpu.memory_space<hbm>>
    tpu.enqueue_dma source(%dma_start3A_68 : memref<128xi32, #tpu.memory_space<hbm>>) target(%dma_start3A_65 : memref<128xi32, #tpu.memory_space<vmem>>) target_semaphore(%arg13 : memref<!tpu.dma_semaphore, #tpu.memory_space<semaphore_mem>>)
    %dma_wait3A = arith.constant 0 : i32
    %dma_wait3A_69 = arith.constant 0 : i32
    %dma_wait3A_70 = arith.constant 0 : i32
    %dma_wait3A_71 = tpu.memref_slice %arg6[%dma_wait3A_69, %dma_wait3A_70] : memref<2x128xi32, #tpu.memory_space<vmem>> -> memref<1x128xi32, #tpu.memory_space<vmem>>
    %dma_wait3A_72 = tpu.memref_squeeze %dma_wait3A_71 : memref<1x128xi32, #tpu.memory_space<vmem>> -> memref<128xi32, #tpu.memory_space<vmem>>
    %dma_wait3A_73 = arith.constant 0 : i32
    %dma_wait3A_74 = tpu.memref_slice %arg3[%add3A, %dma_wait3A, %dma_wait3A_73] : memref<32x80x128xi32, #tpu.memory_space<hbm>> -> memref<1x1x128xi32, #tpu.memory_space<hbm>>
    %dma_wait3A_75 = tpu.memref_squeeze %dma_wait3A_74 : memref<1x1x128xi32, #tpu.memory_space<hbm>> -> memref<128xi32, #tpu.memory_space<hbm>>
    %dma_wait3A_76 = arith.constant 0 : i32
    %dma_wait3A_77 = tpu.memref_slice %arg6[%dma_wait3A_69, %dma_wait3A_76] : memref<2x128xi32, #tpu.memory_space<vmem>> -> memref<1x128xi32, #tpu.memory_space<vmem>>
    %dma_wait3A_78 = tpu.memref_squeeze %dma_wait3A_77 : memref<1x128xi32, #tpu.memory_space<vmem>> -> memref<128xi32, #tpu.memory_space<vmem>>
    %dma_wait3A_79 = arith.constant 0 : i32
    %dma_wait3A_80 = tpu.memref_slice %arg3[%add3A, %dma_wait3A, %dma_wait3A_79] : memref<32x80x128xi32, #tpu.memory_space<hbm>> -> memref<1x1x128xi32, #tpu.memory_space<hbm>>
    %dma_wait3A_81 = tpu.memref_squeeze %dma_wait3A_80 : memref<1x1x128xi32, #tpu.memory_space<hbm>> -> memref<128xi32, #tpu.memory_space<hbm>>
    tpu.wait_dma2 semaphore(%arg10 : memref<!tpu.dma_semaphore, #tpu.memory_space<semaphore_mem>>) src(%dma_wait3A_81 : memref<128xi32, #tpu.memory_space<hbm>>) dst(%dma_wait3A_78 : memref<128xi32, #tpu.memory_space<vmem>>)
    %dma_start3A_82 = arith.constant 0 : i32
    %dma_start3A_83 = arith.constant 0 : i32
    %dma_start3A_84 = arith.constant 0 : i32
    %dma_start3A_85 = arith.constant 0 : i32
    %dma_start3A_86 = tpu.memref_slice %arg8[%dma_start3A_83, %dma_start3A_84, %dma_start3A_85] : memref<2x128x128xf32, #tpu.memory_space<vmem>> -> memref<1x128x128xf32, #tpu.memory_space<vmem>>
    %dma_start3A_87 = tpu.memref_squeeze %dma_start3A_86 : memref<1x128x128xf32, #tpu.memory_space<vmem>> -> memref<128x128xf32, #tpu.memory_space<vmem>>
    %dma_start3A_88 = arith.constant 0 : i32
    %dma_start3A_89 = tpu.memref_slice %arg6[%dma_start3A_82, %dma_start3A_88] : memref<2x128xi32, #tpu.memory_space<vmem>> -> memref<1x128xi32, #tpu.memory_space<vmem>>
    %dma_start3A_90 = tpu.memref_squeeze %dma_start3A_89 : memref<1x128xi32, #tpu.memory_space<vmem>> -> memref<128xi32, #tpu.memory_space<vmem>>
    %dma_start3A_91 = arith.constant 0 : i32
    %dma_start3A_92 = arith.constant 0 : i32
    %dma_start3A_93 = tpu.memref_slice %arg2[%dma_start3A_91, %dma_start3A_92] : memref<10000x128xf32, #tpu.memory_space<hbm>> -> memref<10000x128xf32, #tpu.memory_space<hbm>>
    tpu.enqueue_indirect_dma source(%dma_start3A_93 : memref<10000x128xf32, #tpu.memory_space<hbm>>) target(%dma_start3A_87 : memref<128x128xf32, #tpu.memory_space<vmem>>) offsets(%dma_start3A_90 : memref<128xi32, #tpu.memory_space<vmem>>) semaphore(%arg14 : memref<!tpu.dma_semaphore, #tpu.memory_space<semaphore_mem>>)
    %scan3A_94 = arith.constant 0 : i32
    %scan3A_95 = arith.constant 0 : i32
    %scan3A_96 = arith.constant 40 : i32
    %scan3A_97 = arith.addi %scan3A_95, %scan3A_96 : i32
    %scan3A_98 = arith.constant 1 : i32
    %scan3A_99 = scf.for %scan3A_118 = %scan3A_95 to %scan3A_97 step %scan3A_98 iter_args(%scan3A_119 = %scan3A_94) -> (i32)  : i32 {
      %mul3A_120 = arith.constant 2 : i32
      %mul3A_121 = arith.muli %mul3A_120, %scan3A_118 : i32
      %add3A_122 = arith.constant 1 : i32
      %add3A_123 = arith.addi %scan3A_118, %add3A_122 : i32
      %lt3A = arith.constant 40 : i32
      %lt3A_124 = arith.cmpi slt, %add3A_123, %lt3A : i32
      %add3A_125 = arith.constant 1 : i32
      %add3A_126 = arith.addi %mul3A_121, %add3A_125 : i32
      %dma_wait3A_127 = arith.constant 1 : i32
      %dma_wait3A_128 = arith.constant 0 : i32
      %dma_wait3A_129 = tpu.memref_slice %arg6[%dma_wait3A_127, %dma_wait3A_128] : memref<2x128xi32, #tpu.memory_space<vmem>> -> memref<1x128xi32, #tpu.memory_space<vmem>>
      %dma_wait3A_130 = tpu.memref_squeeze %dma_wait3A_129 : memref<1x128xi32, #tpu.memory_space<vmem>> -> memref<128xi32, #tpu.memory_space<vmem>>
      %dma_wait3A_131 = arith.constant 0 : i32
      %dma_wait3A_132 = tpu.memref_slice %arg3[%add3A, %add3A_126, %dma_wait3A_131] : memref<32x80x128xi32, #tpu.memory_space<hbm>> -> memref<1x1x128xi32, #tpu.memory_space<hbm>>
      %dma_wait3A_133 = tpu.memref_squeeze %dma_wait3A_132 : memref<1x1x128xi32, #tpu.memory_space<hbm>> -> memref<128xi32, #tpu.memory_space<hbm>>
      %dma_wait3A_134 = arith.constant 0 : i32
      %dma_wait3A_135 = tpu.memref_slice %arg6[%dma_wait3A_127, %dma_wait3A_134] : memref<2x128xi32, #tpu.memory_space<vmem>> -> memref<1x128xi32, #tpu.memory_space<vmem>>
      %dma_wait3A_136 = tpu.memref_squeeze %dma_wait3A_135 : memref<1x128xi32, #tpu.memory_space<vmem>> -> memref<128xi32, #tpu.memory_space<vmem>>
      %dma_wait3A_137 = arith.constant 0 : i32
      %dma_wait3A_138 = tpu.memref_slice %arg3[%add3A, %add3A_126, %dma_wait3A_137] : memref<32x80x128xi32, #tpu.memory_space<hbm>> -> memref<1x1x128xi32, #tpu.memory_space<hbm>>
      %dma_wait3A_139 = tpu.memref_squeeze %dma_wait3A_138 : memref<1x1x128xi32, #tpu.memory_space<hbm>> -> memref<128xi32, #tpu.memory_space<hbm>>
      tpu.wait_dma2 semaphore(%arg11 : memref<!tpu.dma_semaphore, #tpu.memory_space<semaphore_mem>>) src(%dma_wait3A_139 : memref<128xi32, #tpu.memory_space<hbm>>) dst(%dma_wait3A_136 : memref<128xi32, #tpu.memory_space<vmem>>)
      %dma_wait3A_140 = arith.constant 0 : i32
      %dma_wait3A_141 = arith.constant 0 : i32
      %dma_wait3A_142 = arith.constant 0 : i32
      %dma_wait3A_143 = arith.constant 0 : i32
      %dma_wait3A_144 = tpu.memref_slice %arg8[%dma_wait3A_141, %dma_wait3A_142, %dma_wait3A_143] : memref<2x128x128xf32, #tpu.memory_space<vmem>> -> memref<1x128x128xf32, #tpu.memory_space<vmem>>
      %dma_wait3A_145 = tpu.memref_squeeze %dma_wait3A_144 : memref<1x128x128xf32, #tpu.memory_space<vmem>> -> memref<128x128xf32, #tpu.memory_space<vmem>>
      %dma_wait3A_146 = arith.constant 0 : i32
      %dma_wait3A_147 = tpu.memref_slice %arg6[%dma_wait3A_140, %dma_wait3A_146] : memref<2x128xi32, #tpu.memory_space<vmem>> -> memref<1x128xi32, #tpu.memory_space<vmem>>
      %dma_wait3A_148 = tpu.memref_squeeze %dma_wait3A_147 : memref<1x128xi32, #tpu.memory_space<vmem>> -> memref<128xi32, #tpu.memory_space<vmem>>
      %dma_wait3A_149 = arith.constant 0 : i32
      %dma_wait3A_150 = arith.constant 0 : i32
      %dma_wait3A_151 = tpu.memref_slice %arg2[%dma_wait3A_149, %dma_wait3A_150] : memref<10000x128xf32, #tpu.memory_space<hbm>> -> memref<10000x128xf32, #tpu.memory_space<hbm>>
      tpu.wait_indirect_dma semaphore(%arg14 : memref<!tpu.dma_semaphore, #tpu.memory_space<semaphore_mem>>) src(%dma_wait3A_151 : memref<10000x128xf32, #tpu.memory_space<hbm>>) dst(%dma_wait3A_145 : memref<128x128xf32, #tpu.memory_space<vmem>>)
      %gt3A = arith.constant 0 : i32
      %gt3A_152 = arith.cmpi sgt, %scan3A_118, %gt3A : i32
      %convert_element_type3A = arith.extui %gt3A_152 : i1 to i32
      %cond3A = arith.constant 0 : i32
      %cond3A_153 = arith.cmpi ne, %convert_element_type3A, %cond3A : i32
      scf.if %cond3A_153 {
        %dma_wait3A_252 = arith.constant 1 : i32
        %dma_wait3A_253 = arith.constant 1 : i32
        %dma_wait3A_254 = arith.constant 0 : i32
        %dma_wait3A_255 = arith.constant 0 : i32
        %dma_wait3A_256 = tpu.memref_slice %arg8[%dma_wait3A_252, %dma_wait3A_254, %dma_wait3A_255] : memref<2x128x128xf32, #tpu.memory_space<vmem>> -> memref<1x128x128xf32, #tpu.memory_space<vmem>>
        %dma_wait3A_257 = tpu.memref_squeeze %dma_wait3A_256 : memref<1x128x128xf32, #tpu.memory_space<vmem>> -> memref<128x128xf32, #tpu.memory_space<vmem>>
        %dma_wait3A_258 = arith.constant 0 : i32
        %dma_wait3A_259 = tpu.memref_slice %arg7[%dma_wait3A_253, %dma_wait3A_258] : memref<2x128xi32, #tpu.memory_space<vmem>> -> memref<1x128xi32, #tpu.memory_space<vmem>>
        %dma_wait3A_260 = tpu.memref_squeeze %dma_wait3A_259 : memref<1x128xi32, #tpu.memory_space<vmem>> -> memref<128xi32, #tpu.memory_space<vmem>>
        %dma_wait3A_261 = arith.constant 0 : i32
        %dma_wait3A_262 = arith.constant 0 : i32
        %dma_wait3A_263 = tpu.memref_slice %arg9[%dma_wait3A_261, %dma_wait3A_262] : memref<10240x128xf32, #tpu.memory_space<vmem_shared>> -> memref<10240x128xf32, #tpu.memory_space<vmem_shared>>
        tpu.wait_indirect_dma semaphore(%arg17 : memref<!tpu.dma_semaphore, #tpu.memory_space<semaphore_mem>>) src(%dma_wait3A_257 : memref<128x128xf32, #tpu.memory_space<vmem>>) dst(%dma_wait3A_263 : memref<10240x128xf32, #tpu.memory_space<vmem_shared>>)
        %add3A_264 = arith.constant 1 : i32
        %add3A_265 = arith.addi %mul3A_121, %add3A_264 : i32
        %dma_start3A_266 = arith.constant 1 : i32
        %dma_start3A_267 = arith.constant 0 : i32
        %dma_start3A_268 = tpu.memref_slice %arg7[%dma_start3A_266, %dma_start3A_267] : memref<2x128xi32, #tpu.memory_space<vmem>> -> memref<1x128xi32, #tpu.memory_space<vmem>>
        %dma_start3A_269 = tpu.memref_squeeze %dma_start3A_268 : memref<1x128xi32, #tpu.memory_space<vmem>> -> memref<128xi32, #tpu.memory_space<vmem>>
        %dma_start3A_270 = arith.constant 0 : i32
        %dma_start3A_271 = tpu.memref_slice %arg4[%add3A, %add3A_265, %dma_start3A_270] : memref<32x80x128xi32, #tpu.memory_space<hbm>> -> memref<1x1x128xi32, #tpu.memory_space<hbm>>
        %dma_start3A_272 = tpu.memref_squeeze %dma_start3A_271 : memref<1x1x128xi32, #tpu.memory_space<hbm>> -> memref<128xi32, #tpu.memory_space<hbm>>
        %dma_start3A_273 = arith.constant 0 : i32
        %dma_start3A_274 = tpu.memref_slice %arg7[%dma_start3A_266, %dma_start3A_273] : memref<2x128xi32, #tpu.memory_space<vmem>> -> memref<1x128xi32, #tpu.memory_space<vmem>>
        %dma_start3A_275 = tpu.memref_squeeze %dma_start3A_274 : memref<1x128xi32, #tpu.memory_space<vmem>> -> memref<128xi32, #tpu.memory_space<vmem>>
        %dma_start3A_276 = arith.constant 0 : i32
        %dma_start3A_277 = tpu.memref_slice %arg4[%add3A, %add3A_265, %dma_start3A_276] : memref<32x80x128xi32, #tpu.memory_space<hbm>> -> memref<1x1x128xi32, #tpu.memory_space<hbm>>
        %dma_start3A_278 = tpu.memref_squeeze %dma_start3A_277 : memref<1x1x128xi32, #tpu.memory_space<hbm>> -> memref<128xi32, #tpu.memory_space<hbm>>
        tpu.enqueue_dma source(%dma_start3A_278 : memref<128xi32, #tpu.memory_space<hbm>>) target(%dma_start3A_275 : memref<128xi32, #tpu.memory_space<vmem>>) target_semaphore(%arg13 : memref<!tpu.dma_semaphore, #tpu.memory_space<semaphore_mem>>)
      } else {
      }
      %dma_start3A_154 = arith.constant 1 : i32
      %dma_start3A_155 = arith.constant 1 : i32
      %dma_start3A_156 = arith.constant 0 : i32
      %dma_start3A_157 = arith.constant 0 : i32
      %dma_start3A_158 = tpu.memref_slice %arg8[%dma_start3A_155, %dma_start3A_156, %dma_start3A_157] : memref<2x128x128xf32, #tpu.memory_space<vmem>> -> memref<1x128x128xf32, #tpu.memory_space<vmem>>
      %dma_start3A_159 = tpu.memref_squeeze %dma_start3A_158 : memref<1x128x128xf32, #tpu.memory_space<vmem>> -> memref<128x128xf32, #tpu.memory_space<vmem>>
      %dma_start3A_160 = arith.constant 0 : i32
      %dma_start3A_161 = tpu.memref_slice %arg6[%dma_start3A_154, %dma_start3A_160] : memref<2x128xi32, #tpu.memory_space<vmem>> -> memref<1x128xi32, #tpu.memory_space<vmem>>
      %dma_start3A_162 = tpu.memref_squeeze %dma_start3A_161 : memref<1x128xi32, #tpu.memory_space<vmem>> -> memref<128xi32, #tpu.memory_space<vmem>>
      %dma_start3A_163 = arith.constant 0 : i32
      %dma_start3A_164 = arith.constant 0 : i32
      %dma_start3A_165 = tpu.memref_slice %arg2[%dma_start3A_163, %dma_start3A_164] : memref<10000x128xf32, #tpu.memory_space<hbm>> -> memref<10000x128xf32, #tpu.memory_space<hbm>>
      tpu.enqueue_indirect_dma source(%dma_start3A_165 : memref<10000x128xf32, #tpu.memory_space<hbm>>) target(%dma_start3A_159 : memref<128x128xf32, #tpu.memory_space<vmem>>) offsets(%dma_start3A_162 : memref<128xi32, #tpu.memory_space<vmem>>) semaphore(%arg15 : memref<!tpu.dma_semaphore, #tpu.memory_space<semaphore_mem>>)
      %dma_wait3A_166 = arith.constant 0 : i32
      %dma_wait3A_167 = arith.constant 0 : i32
      %dma_wait3A_168 = tpu.memref_slice %arg7[%dma_wait3A_166, %dma_wait3A_167] : memref<2x128xi32, #tpu.memory_space<vmem>> -> memref<1x128xi32, #tpu.memory_space<vmem>>
      %dma_wait3A_169 = tpu.memref_squeeze %dma_wait3A_168 : memref<1x128xi32, #tpu.memory_space<vmem>> -> memref<128xi32, #tpu.memory_space<vmem>>
      %dma_wait3A_170 = arith.constant 0 : i32
      %dma_wait3A_171 = tpu.memref_slice %arg4[%add3A, %mul3A_121, %dma_wait3A_170] : memref<32x80x128xi32, #tpu.memory_space<hbm>> -> memref<1x1x128xi32, #tpu.memory_space<hbm>>
      %dma_wait3A_172 = tpu.memref_squeeze %dma_wait3A_171 : memref<1x1x128xi32, #tpu.memory_space<hbm>> -> memref<128xi32, #tpu.memory_space<hbm>>
      %dma_wait3A_173 = arith.constant 0 : i32
      %dma_wait3A_174 = tpu.memref_slice %arg7[%dma_wait3A_166, %dma_wait3A_173] : memref<2x128xi32, #tpu.memory_space<vmem>> -> memref<1x128xi32, #tpu.memory_space<vmem>>
      %dma_wait3A_175 = tpu.memref_squeeze %dma_wait3A_174 : memref<1x128xi32, #tpu.memory_space<vmem>> -> memref<128xi32, #tpu.memory_space<vmem>>
      %dma_wait3A_176 = arith.constant 0 : i32
      %dma_wait3A_177 = tpu.memref_slice %arg4[%add3A, %mul3A_121, %dma_wait3A_176] : memref<32x80x128xi32, #tpu.memory_space<hbm>> -> memref<1x1x128xi32, #tpu.memory_space<hbm>>
      %dma_wait3A_178 = tpu.memref_squeeze %dma_wait3A_177 : memref<1x1x128xi32, #tpu.memory_space<hbm>> -> memref<128xi32, #tpu.memory_space<hbm>>
      tpu.wait_dma2 semaphore(%arg12 : memref<!tpu.dma_semaphore, #tpu.memory_space<semaphore_mem>>) src(%dma_wait3A_178 : memref<128xi32, #tpu.memory_space<hbm>>) dst(%dma_wait3A_175 : memref<128xi32, #tpu.memory_space<vmem>>)
      %dma_start3A_179 = arith.constant 0 : i32
      %dma_start3A_180 = arith.constant 0 : i32
      %dma_start3A_181 = arith.constant 0 : i32
      %dma_start3A_182 = arith.constant 0 : i32
      %dma_start3A_183 = tpu.memref_slice %arg8[%dma_start3A_179, %dma_start3A_181, %dma_start3A_182] : memref<2x128x128xf32, #tpu.memory_space<vmem>> -> memref<1x128x128xf32, #tpu.memory_space<vmem>>
      %dma_start3A_184 = tpu.memref_squeeze %dma_start3A_183 : memref<1x128x128xf32, #tpu.memory_space<vmem>> -> memref<128x128xf32, #tpu.memory_space<vmem>>
      %dma_start3A_185 = arith.constant 0 : i32
      %dma_start3A_186 = tpu.memref_slice %arg7[%dma_start3A_180, %dma_start3A_185] : memref<2x128xi32, #tpu.memory_space<vmem>> -> memref<1x128xi32, #tpu.memory_space<vmem>>
      %dma_start3A_187 = tpu.memref_squeeze %dma_start3A_186 : memref<1x128xi32, #tpu.memory_space<vmem>> -> memref<128xi32, #tpu.memory_space<vmem>>
      %dma_start3A_188 = arith.constant 0 : i32
      %dma_start3A_189 = arith.constant 0 : i32
      %dma_start3A_190 = tpu.memref_slice %arg9[%dma_start3A_188, %dma_start3A_189] : memref<10240x128xf32, #tpu.memory_space<vmem_shared>> -> memref<10240x128xf32, #tpu.memory_space<vmem_shared>>
      tpu.enqueue_indirect_dma source(%dma_start3A_184 : memref<128x128xf32, #tpu.memory_space<vmem>>) target(%dma_start3A_190 : memref<10240x128xf32, #tpu.memory_space<vmem_shared>>) offsets(%dma_start3A_187 : memref<128xi32, #tpu.memory_space<vmem>>) semaphore(%arg16 : memref<!tpu.dma_semaphore, #tpu.memory_space<semaphore_mem>>) {add = true}
      %convert_element_type3A_191 = arith.extui %lt3A_124 : i1 to i32
      %cond3A_192 = arith.constant 0 : i32
      %cond3A_193 = arith.cmpi ne, %convert_element_type3A_191, %cond3A_192 : i32
      scf.if %cond3A_193 {
        %add3A_252 = arith.constant 2 : i32
        %add3A_253 = arith.addi %mul3A_121, %add3A_252 : i32
        %dma_start3A_254 = arith.constant 0 : i32
        %dma_start3A_255 = arith.constant 0 : i32
        %dma_start3A_256 = tpu.memref_slice %arg6[%dma_start3A_254, %dma_start3A_255] : memref<2x128xi32, #tpu.memory_space<vmem>> -> memref<1x128xi32, #tpu.memory_space<vmem>>
        %dma_start3A_257 = tpu.memref_squeeze %dma_start3A_256 : memref<1x128xi32, #tpu.memory_space<vmem>> -> memref<128xi32, #tpu.memory_space<vmem>>
        %dma_start3A_258 = arith.constant 0 : i32
        %dma_start3A_259 = tpu.memref_slice %arg3[%add3A, %add3A_253, %dma_start3A_258] : memref<32x80x128xi32, #tpu.memory_space<hbm>> -> memref<1x1x128xi32, #tpu.memory_space<hbm>>
        %dma_start3A_260 = tpu.memref_squeeze %dma_start3A_259 : memref<1x1x128xi32, #tpu.memory_space<hbm>> -> memref<128xi32, #tpu.memory_space<hbm>>
        %dma_start3A_261 = arith.constant 0 : i32
        %dma_start3A_262 = tpu.memref_slice %arg6[%dma_start3A_254, %dma_start3A_261] : memref<2x128xi32, #tpu.memory_space<vmem>> -> memref<1x128xi32, #tpu.memory_space<vmem>>
        %dma_start3A_263 = tpu.memref_squeeze %dma_start3A_262 : memref<1x128xi32, #tpu.memory_space<vmem>> -> memref<128xi32, #tpu.memory_space<vmem>>
        %dma_start3A_264 = arith.constant 0 : i32
        %dma_start3A_265 = tpu.memref_slice %arg3[%add3A, %add3A_253, %dma_start3A_264] : memref<32x80x128xi32, #tpu.memory_space<hbm>> -> memref<1x1x128xi32, #tpu.memory_space<hbm>>
        %dma_start3A_266 = tpu.memref_squeeze %dma_start3A_265 : memref<1x1x128xi32, #tpu.memory_space<hbm>> -> memref<128xi32, #tpu.memory_space<hbm>>
        tpu.enqueue_dma source(%dma_start3A_266 : memref<128xi32, #tpu.memory_space<hbm>>) target(%dma_start3A_263 : memref<128xi32, #tpu.memory_space<vmem>>) target_semaphore(%arg10 : memref<!tpu.dma_semaphore, #tpu.memory_space<semaphore_mem>>)
      } else {
      }
      %dma_wait3A_194 = arith.constant 1 : i32
      %dma_wait3A_195 = arith.constant 1 : i32
      %dma_wait3A_196 = arith.constant 0 : i32
      %dma_wait3A_197 = arith.constant 0 : i32
      %dma_wait3A_198 = tpu.memref_slice %arg8[%dma_wait3A_195, %dma_wait3A_196, %dma_wait3A_197] : memref<2x128x128xf32, #tpu.memory_space<vmem>> -> memref<1x128x128xf32, #tpu.memory_space<vmem>>
      %dma_wait3A_199 = tpu.memref_squeeze %dma_wait3A_198 : memref<1x128x128xf32, #tpu.memory_space<vmem>> -> memref<128x128xf32, #tpu.memory_space<vmem>>
      %dma_wait3A_200 = arith.constant 0 : i32
      %dma_wait3A_201 = tpu.memref_slice %arg6[%dma_wait3A_194, %dma_wait3A_200] : memref<2x128xi32, #tpu.memory_space<vmem>> -> memref<1x128xi32, #tpu.memory_space<vmem>>
      %dma_wait3A_202 = tpu.memref_squeeze %dma_wait3A_201 : memref<1x128xi32, #tpu.memory_space<vmem>> -> memref<128xi32, #tpu.memory_space<vmem>>
      %dma_wait3A_203 = arith.constant 0 : i32
      %dma_wait3A_204 = arith.constant 0 : i32
      %dma_wait3A_205 = tpu.memref_slice %arg2[%dma_wait3A_203, %dma_wait3A_204] : memref<10000x128xf32, #tpu.memory_space<hbm>> -> memref<10000x128xf32, #tpu.memory_space<hbm>>
      tpu.wait_indirect_dma semaphore(%arg15 : memref<!tpu.dma_semaphore, #tpu.memory_space<semaphore_mem>>) src(%dma_wait3A_205 : memref<10000x128xf32, #tpu.memory_space<hbm>>) dst(%dma_wait3A_199 : memref<128x128xf32, #tpu.memory_space<vmem>>)
      %dma_wait3A_206 = arith.constant 0 : i32
      %dma_wait3A_207 = arith.constant 0 : i32
      %dma_wait3A_208 = arith.constant 0 : i32
      %dma_wait3A_209 = arith.constant 0 : i32
      %dma_wait3A_210 = tpu.memref_slice %arg8[%dma_wait3A_206, %dma_wait3A_208, %dma_wait3A_209] : memref<2x128x128xf32, #tpu.memory_space<vmem>> -> memref<1x128x128xf32, #tpu.memory_space<vmem>>
      %dma_wait3A_211 = tpu.memref_squeeze %dma_wait3A_210 : memref<1x128x128xf32, #tpu.memory_space<vmem>> -> memref<128x128xf32, #tpu.memory_space<vmem>>
      %dma_wait3A_212 = arith.constant 0 : i32
      %dma_wait3A_213 = tpu.memref_slice %arg7[%dma_wait3A_207, %dma_wait3A_212] : memref<2x128xi32, #tpu.memory_space<vmem>> -> memref<1x128xi32, #tpu.memory_space<vmem>>
      %dma_wait3A_214 = tpu.memref_squeeze %dma_wait3A_213 : memref<1x128xi32, #tpu.memory_space<vmem>> -> memref<128xi32, #tpu.memory_space<vmem>>
      %dma_wait3A_215 = arith.constant 0 : i32
      %dma_wait3A_216 = arith.constant 0 : i32
      %dma_wait3A_217 = tpu.memref_slice %arg9[%dma_wait3A_215, %dma_wait3A_216] : memref<10240x128xf32, #tpu.memory_space<vmem_shared>> -> memref<10240x128xf32, #tpu.memory_space<vmem_shared>>
      tpu.wait_indirect_dma semaphore(%arg16 : memref<!tpu.dma_semaphore, #tpu.memory_space<semaphore_mem>>) src(%dma_wait3A_211 : memref<128x128xf32, #tpu.memory_space<vmem>>) dst(%dma_wait3A_217 : memref<10240x128xf32, #tpu.memory_space<vmem_shared>>)
      %convert_element_type3A_218 = arith.extui %lt3A_124 : i1 to i32
      %cond3A_219 = arith.constant 0 : i32
      %cond3A_220 = arith.cmpi ne, %convert_element_type3A_218, %cond3A_219 : i32
      scf.if %cond3A_220 {
        %add3A_252 = arith.constant 2 : i32
        %add3A_253 = arith.addi %mul3A_121, %add3A_252 : i32
        %dma_start3A_254 = arith.constant 0 : i32
        %dma_start3A_255 = arith.constant 0 : i32
        %dma_start3A_256 = tpu.memref_slice %arg7[%dma_start3A_254, %dma_start3A_255] : memref<2x128xi32, #tpu.memory_space<vmem>> -> memref<1x128xi32, #tpu.memory_space<vmem>>
        %dma_start3A_257 = tpu.memref_squeeze %dma_start3A_256 : memref<1x128xi32, #tpu.memory_space<vmem>> -> memref<128xi32, #tpu.memory_space<vmem>>
        %dma_start3A_258 = arith.constant 0 : i32
        %dma_start3A_259 = tpu.memref_slice %arg4[%add3A, %add3A_253, %dma_start3A_258] : memref<32x80x128xi32, #tpu.memory_space<hbm>> -> memref<1x1x128xi32, #tpu.memory_space<hbm>>
        %dma_start3A_260 = tpu.memref_squeeze %dma_start3A_259 : memref<1x1x128xi32, #tpu.memory_space<hbm>> -> memref<128xi32, #tpu.memory_space<hbm>>
        %dma_start3A_261 = arith.constant 0 : i32
        %dma_start3A_262 = tpu.memref_slice %arg7[%dma_start3A_254, %dma_start3A_261] : memref<2x128xi32, #tpu.memory_space<vmem>> -> memref<1x128xi32, #tpu.memory_space<vmem>>
        %dma_start3A_263 = tpu.memref_squeeze %dma_start3A_262 : memref<1x128xi32, #tpu.memory_space<vmem>> -> memref<128xi32, #tpu.memory_space<vmem>>
        %dma_start3A_264 = arith.constant 0 : i32
        %dma_start3A_265 = tpu.memref_slice %arg4[%add3A, %add3A_253, %dma_start3A_264] : memref<32x80x128xi32, #tpu.memory_space<hbm>> -> memref<1x1x128xi32, #tpu.memory_space<hbm>>
        %dma_start3A_266 = tpu.memref_squeeze %dma_start3A_265 : memref<1x1x128xi32, #tpu.memory_space<hbm>> -> memref<128xi32, #tpu.memory_space<hbm>>
        tpu.enqueue_dma source(%dma_start3A_266 : memref<128xi32, #tpu.memory_space<hbm>>) target(%dma_start3A_263 : memref<128xi32, #tpu.memory_space<vmem>>) target_semaphore(%arg12 : memref<!tpu.dma_semaphore, #tpu.memory_space<semaphore_mem>>)
        %add3A_267 = arith.constant 2 : i32
        %add3A_268 = arith.addi %mul3A_121, %add3A_267 : i32
        %dma_wait3A_269 = arith.constant 0 : i32
        %dma_wait3A_270 = arith.constant 0 : i32
        %dma_wait3A_271 = tpu.memref_slice %arg6[%dma_wait3A_269, %dma_wait3A_270] : memref<2x128xi32, #tpu.memory_space<vmem>> -> memref<1x128xi32, #tpu.memory_space<vmem>>
        %dma_wait3A_272 = tpu.memref_squeeze %dma_wait3A_271 : memref<1x128xi32, #tpu.memory_space<vmem>> -> memref<128xi32, #tpu.memory_space<vmem>>
        %dma_wait3A_273 = arith.constant 0 : i32
        %dma_wait3A_274 = tpu.memref_slice %arg3[%add3A, %add3A_268, %dma_wait3A_273] : memref<32x80x128xi32, #tpu.memory_space<hbm>> -> memref<1x1x128xi32, #tpu.memory_space<hbm>>
        %dma_wait3A_275 = tpu.memref_squeeze %dma_wait3A_274 : memref<1x1x128xi32, #tpu.memory_space<hbm>> -> memref<128xi32, #tpu.memory_space<hbm>>
        %dma_wait3A_276 = arith.constant 0 : i32
        %dma_wait3A_277 = tpu.memref_slice %arg6[%dma_wait3A_269, %dma_wait3A_276] : memref<2x128xi32, #tpu.memory_space<vmem>> -> memref<1x128xi32, #tpu.memory_space<vmem>>
        %dma_wait3A_278 = tpu.memref_squeeze %dma_wait3A_277 : memref<1x128xi32, #tpu.memory_space<vmem>> -> memref<128xi32, #tpu.memory_space<vmem>>
        %dma_wait3A_279 = arith.constant 0 : i32
        %dma_wait3A_280 = tpu.memref_slice %arg3[%add3A, %add3A_268, %dma_wait3A_279] : memref<32x80x128xi32, #tpu.memory_space<hbm>> -> memref<1x1x128xi32, #tpu.memory_space<hbm>>
        %dma_wait3A_281 = tpu.memref_squeeze %dma_wait3A_280 : memref<1x1x128xi32, #tpu.memory_space<hbm>> -> memref<128xi32, #tpu.memory_space<hbm>>
        tpu.wait_dma2 semaphore(%arg10 : memref<!tpu.dma_semaphore, #tpu.memory_space<semaphore_mem>>) src(%dma_wait3A_281 : memref<128xi32, #tpu.memory_space<hbm>>) dst(%dma_wait3A_278 : memref<128xi32, #tpu.memory_space<vmem>>)
        %dma_start3A_282 = arith.constant 0 : i32
        %dma_start3A_283 = arith.constant 0 : i32
        %dma_start3A_284 = arith.constant 0 : i32
        %dma_start3A_285 = arith.constant 0 : i32
        %dma_start3A_286 = tpu.memref_slice %arg8[%dma_start3A_283, %dma_start3A_284, %dma_start3A_285] : memref<2x128x128xf32, #tpu.memory_space<vmem>> -> memref<1x128x128xf32, #tpu.memory_space<vmem>>
        %dma_start3A_287 = tpu.memref_squeeze %dma_start3A_286 : memref<1x128x128xf32, #tpu.memory_space<vmem>> -> memref<128x128xf32, #tpu.memory_space<vmem>>
        %dma_start3A_288 = arith.constant 0 : i32
        %dma_start3A_289 = tpu.memref_slice %arg6[%dma_start3A_282, %dma_start3A_288] : memref<2x128xi32, #tpu.memory_space<vmem>> -> memref<1x128xi32, #tpu.memory_space<vmem>>
        %dma_start3A_290 = tpu.memref_squeeze %dma_start3A_289 : memref<1x128xi32, #tpu.memory_space<vmem>> -> memref<128xi32, #tpu.memory_space<vmem>>
        %dma_start3A_291 = arith.constant 0 : i32
        %dma_start3A_292 = arith.constant 0 : i32
        %dma_start3A_293 = tpu.memref_slice %arg2[%dma_start3A_291, %dma_start3A_292] : memref<10000x128xf32, #tpu.memory_space<hbm>> -> memref<10000x128xf32, #tpu.memory_space<hbm>>
        tpu.enqueue_indirect_dma source(%dma_start3A_293 : memref<10000x128xf32, #tpu.memory_space<hbm>>) target(%dma_start3A_287 : memref<128x128xf32, #tpu.memory_space<vmem>>) offsets(%dma_start3A_290 : memref<128xi32, #tpu.memory_space<vmem>>) semaphore(%arg14 : memref<!tpu.dma_semaphore, #tpu.memory_space<semaphore_mem>>)
      } else {
      }
      %add3A_221 = arith.constant 1 : i32
      %add3A_222 = arith.addi %mul3A_121, %add3A_221 : i32
      %dma_wait3A_223 = arith.constant 1 : i32
      %dma_wait3A_224 = arith.constant 0 : i32
      %dma_wait3A_225 = tpu.memref_slice %arg7[%dma_wait3A_223, %dma_wait3A_224] : memref<2x128xi32, #tpu.memory_space<vmem>> -> memref<1x128xi32, #tpu.memory_space<vmem>>
      %dma_wait3A_226 = tpu.memref_squeeze %dma_wait3A_225 : memref<1x128xi32, #tpu.memory_space<vmem>> -> memref<128xi32, #tpu.memory_space<vmem>>
      %dma_wait3A_227 = arith.constant 0 : i32
      %dma_wait3A_228 = tpu.memref_slice %arg4[%add3A, %add3A_222, %dma_wait3A_227] : memref<32x80x128xi32, #tpu.memory_space<hbm>> -> memref<1x1x128xi32, #tpu.memory_space<hbm>>
      %dma_wait3A_229 = tpu.memref_squeeze %dma_wait3A_228 : memref<1x1x128xi32, #tpu.memory_space<hbm>> -> memref<128xi32, #tpu.memory_space<hbm>>
      %dma_wait3A_230 = arith.constant 0 : i32
      %dma_wait3A_231 = tpu.memref_slice %arg7[%dma_wait3A_223, %dma_wait3A_230] : memref<2x128xi32, #tpu.memory_space<vmem>> -> memref<1x128xi32, #tpu.memory_space<vmem>>
      %dma_wait3A_232 = tpu.memref_squeeze %dma_wait3A_231 : memref<1x128xi32, #tpu.memory_space<vmem>> -> memref<128xi32, #tpu.memory_space<vmem>>
      %dma_wait3A_233 = arith.constant 0 : i32
      %dma_wait3A_234 = tpu.memref_slice %arg4[%add3A, %add3A_222, %dma_wait3A_233] : memref<32x80x128xi32, #tpu.memory_space<hbm>> -> memref<1x1x128xi32, #tpu.memory_space<hbm>>
      %dma_wait3A_235 = tpu.memref_squeeze %dma_wait3A_234 : memref<1x1x128xi32, #tpu.memory_space<hbm>> -> memref<128xi32, #tpu.memory_space<hbm>>
      tpu.wait_dma2 semaphore(%arg13 : memref<!tpu.dma_semaphore, #tpu.memory_space<semaphore_mem>>) src(%dma_wait3A_235 : memref<128xi32, #tpu.memory_space<hbm>>) dst(%dma_wait3A_232 : memref<128xi32, #tpu.memory_space<vmem>>)
      %dma_start3A_236 = arith.constant 1 : i32
      %dma_start3A_237 = arith.constant 1 : i32
      %dma_start3A_238 = arith.constant 0 : i32
      %dma_start3A_239 = arith.constant 0 : i32
      %dma_start3A_240 = tpu.memref_slice %arg8[%dma_start3A_236, %dma_start3A_238, %dma_start3A_239] : memref<2x128x128xf32, #tpu.memory_space<vmem>> -> memref<1x128x128xf32, #tpu.memory_space<vmem>>
      %dma_start3A_241 = tpu.memref_squeeze %dma_start3A_240 : memref<1x128x128xf32, #tpu.memory_space<vmem>> -> memref<128x128xf32, #tpu.memory_space<vmem>>
      %dma_start3A_242 = arith.constant 0 : i32
      %dma_start3A_243 = tpu.memref_slice %arg7[%dma_start3A_237, %dma_start3A_242] : memref<2x128xi32, #tpu.memory_space<vmem>> -> memref<1x128xi32, #tpu.memory_space<vmem>>
      %dma_start3A_244 = tpu.memref_squeeze %dma_start3A_243 : memref<1x128xi32, #tpu.memory_space<vmem>> -> memref<128xi32, #tpu.memory_space<vmem>>
      %dma_start3A_245 = arith.constant 0 : i32
      %dma_start3A_246 = arith.constant 0 : i32
      %dma_start3A_247 = tpu.memref_slice %arg9[%dma_start3A_245, %dma_start3A_246] : memref<10240x128xf32, #tpu.memory_space<vmem_shared>> -> memref<10240x128xf32, #tpu.memory_space<vmem_shared>>
      tpu.enqueue_indirect_dma source(%dma_start3A_241 : memref<128x128xf32, #tpu.memory_space<vmem>>) target(%dma_start3A_247 : memref<10240x128xf32, #tpu.memory_space<vmem_shared>>) offsets(%dma_start3A_244 : memref<128xi32, #tpu.memory_space<vmem>>) semaphore(%arg17 : memref<!tpu.dma_semaphore, #tpu.memory_space<semaphore_mem>>) {add = true}
      %convert_element_type3A_248 = arith.extui %lt3A_124 : i1 to i32
      %cond3A_249 = arith.constant 0 : i32
      %cond3A_250 = arith.cmpi ne, %convert_element_type3A_248, %cond3A_249 : i32
      scf.if %cond3A_250 {
        %add3A_252 = arith.constant 3 : i32
        %add3A_253 = arith.addi %mul3A_121, %add3A_252 : i32
        %dma_start3A_254 = arith.constant 1 : i32
        %dma_start3A_255 = arith.constant 0 : i32
        %dma_start3A_256 = tpu.memref_slice %arg6[%dma_start3A_254, %dma_start3A_255] : memref<2x128xi32, #tpu.memory_space<vmem>> -> memref<1x128xi32, #tpu.memory_space<vmem>>
        %dma_start3A_257 = tpu.memref_squeeze %dma_start3A_256 : memref<1x128xi32, #tpu.memory_space<vmem>> -> memref<128xi32, #tpu.memory_space<vmem>>
        %dma_start3A_258 = arith.constant 0 : i32
        %dma_start3A_259 = tpu.memref_slice %arg3[%add3A, %add3A_253, %dma_start3A_258] : memref<32x80x128xi32, #tpu.memory_space<hbm>> -> memref<1x1x128xi32, #tpu.memory_space<hbm>>
        %dma_start3A_260 = tpu.memref_squeeze %dma_start3A_259 : memref<1x1x128xi32, #tpu.memory_space<hbm>> -> memref<128xi32, #tpu.memory_space<hbm>>
        %dma_start3A_261 = arith.constant 0 : i32
        %dma_start3A_262 = tpu.memref_slice %arg6[%dma_start3A_254, %dma_start3A_261] : memref<2x128xi32, #tpu.memory_space<vmem>> -> memref<1x128xi32, #tpu.memory_space<vmem>>
        %dma_start3A_263 = tpu.memref_squeeze %dma_start3A_262 : memref<1x128xi32, #tpu.memory_space<vmem>> -> memref<128xi32, #tpu.memory_space<vmem>>
        %dma_start3A_264 = arith.constant 0 : i32
        %dma_start3A_265 = tpu.memref_slice %arg3[%add3A, %add3A_253, %dma_start3A_264] : memref<32x80x128xi32, #tpu.memory_space<hbm>> -> memref<1x1x128xi32, #tpu.memory_space<hbm>>
        %dma_start3A_266 = tpu.memref_squeeze %dma_start3A_265 : memref<1x1x128xi32, #tpu.memory_space<hbm>> -> memref<128xi32, #tpu.memory_space<hbm>>
        tpu.enqueue_dma source(%dma_start3A_266 : memref<128xi32, #tpu.memory_space<hbm>>) target(%dma_start3A_263 : memref<128xi32, #tpu.memory_space<vmem>>) target_semaphore(%arg11 : memref<!tpu.dma_semaphore, #tpu.memory_space<semaphore_mem>>)
      } else {
      }
      %scan3A_251 = arith.constant 0 : i32
      scf.yield %scan3A_251 : i32
    }
    %scan3A_100 = arith.constant 40 : i32
    %dma_wait3A_101 = arith.constant 1 : i32
    %dma_wait3A_102 = arith.constant 1 : i32
    %dma_wait3A_103 = arith.constant 0 : i32
    %dma_wait3A_104 = arith.constant 0 : i32
    %dma_wait3A_105 = tpu.memref_slice %arg8[%dma_wait3A_101, %dma_wait3A_103, %dma_wait3A_104] : memref<2x128x128xf32, #tpu.memory_space<vmem>> -> memref<1x128x128xf32, #tpu.memory_space<vmem>>
    %dma_wait3A_106 = tpu.memref_squeeze %dma_wait3A_105 : memref<1x128x128xf32, #tpu.memory_space<vmem>> -> memref<128x128xf32, #tpu.memory_space<vmem>>
    %dma_wait3A_107 = arith.constant 0 : i32
    %dma_wait3A_108 = tpu.memref_slice %arg7[%dma_wait3A_102, %dma_wait3A_107] : memref<2x128xi32, #tpu.memory_space<vmem>> -> memref<1x128xi32, #tpu.memory_space<vmem>>
    %dma_wait3A_109 = tpu.memref_squeeze %dma_wait3A_108 : memref<1x128xi32, #tpu.memory_space<vmem>> -> memref<128xi32, #tpu.memory_space<vmem>>
    %dma_wait3A_110 = arith.constant 0 : i32
    %dma_wait3A_111 = arith.constant 0 : i32
    %dma_wait3A_112 = tpu.memref_slice %arg9[%dma_wait3A_110, %dma_wait3A_111] : memref<10240x128xf32, #tpu.memory_space<vmem_shared>> -> memref<10240x128xf32, #tpu.memory_space<vmem_shared>>
    tpu.wait_indirect_dma semaphore(%arg17 : memref<!tpu.dma_semaphore, #tpu.memory_space<semaphore_mem>>) src(%dma_wait3A_106 : memref<128x128xf32, #tpu.memory_space<vmem>>) dst(%dma_wait3A_112 : memref<10240x128xf32, #tpu.memory_space<vmem_shared>>)
    %barrier3A_113 = arith.constant 0 : index
    tpu.barrier barrier_id(%barrier3A_113)
    %mul3A_114 = arith.constant 640 : i32
    %mul3A_115 = arith.muli %arg1, %mul3A_114 : i32
    %mul3A_116 = arith.constant 640 : i32
    %mul3A_117 = arith.muli %arg1, %mul3A_116 : i32
    "tpu.region"() ({
      %run_scoped3A = tpu.sem_alloc : memref<!tpu.dma_semaphore, #tpu.memory_space<semaphore_mem>>
      %dma_start3A_118 = arith.constant 0 : i32
      %dma_start3A_119 = tpu.memref_slice %arg5[%arg0, %mul3A_117, %dma_start3A_118] : memref<2x10240x128xf32, #tpu.memory_space<hbm>> -> memref<1x640x128xf32, #tpu.memory_space<hbm>>
      %dma_start3A_120 = tpu.memref_squeeze %dma_start3A_119 : memref<1x640x128xf32, #tpu.memory_space<hbm>> -> memref<640x128xf32, #tpu.memory_space<hbm>>
      %dma_start3A_121 = arith.constant 0 : i32
      %dma_start3A_122 = tpu.memref_slice %arg9[%mul3A_115, %dma_start3A_121] : memref<10240x128xf32, #tpu.memory_space<vmem_shared>> -> memref<640x128xf32, #tpu.memory_space<vmem_shared>>
      tpu.enqueue_dma source(%dma_start3A_122 : memref<640x128xf32, #tpu.memory_space<vmem_shared>>) target(%dma_start3A_120 : memref<640x128xf32, #tpu.memory_space<hbm>>) target_semaphore(%run_scoped3A : memref<!tpu.dma_semaphore, #tpu.memory_space<semaphore_mem>>)
      %dma_wait3A_123 = arith.constant 0 : i32
      %dma_wait3A_124 = tpu.memref_slice %arg5[%arg0, %mul3A_117, %dma_wait3A_123] : memref<2x10240x128xf32, #tpu.memory_space<hbm>> -> memref<1x640x128xf32, #tpu.memory_space<hbm>>
      %dma_wait3A_125 = tpu.memref_squeeze %dma_wait3A_124 : memref<1x640x128xf32, #tpu.memory_space<hbm>> -> memref<640x128xf32, #tpu.memory_space<hbm>>
      %dma_wait3A_126 = arith.constant 0 : i32
      %dma_wait3A_127 = tpu.memref_slice %arg9[%mul3A_115, %dma_wait3A_126] : memref<10240x128xf32, #tpu.memory_space<vmem_shared>> -> memref<640x128xf32, #tpu.memory_space<vmem_shared>>
      tpu.wait_dma2 semaphore(%run_scoped3A : memref<!tpu.dma_semaphore, #tpu.memory_space<semaphore_mem>>) src(%dma_wait3A_127 : memref<640x128xf32, #tpu.memory_space<vmem_shared>>) dst(%dma_wait3A_125 : memref<640x128xf32, #tpu.memory_space<hbm>>)
      tpu.yield
    }) : () -> ()
    return
  }
}

#map = affine_map<(d0, d1) -> (0, 0)>
#map1 = affine_map<(d0, d1) -> (0, 0, 0)>
module attributes {stable_mosaic.version = 14 : i64} {
  func.func @_msg_body(%arg0: i32, %arg1: i32, %arg2: memref<10000x128xf32, #tpu.memory_space<hbm>>, %arg3: memref<32x80x128xi32, #tpu.memory_space<hbm>>, %arg4: memref<32x80x128xi32, #tpu.memory_space<hbm>>, %arg5: memref<2x10240x128xf32, #tpu.memory_space<hbm>>, %arg6: memref<2x128xi32, #tpu.memory_space<vmem>>, %arg7: memref<2x128xi32, #tpu.memory_space<vmem>>, %arg8: memref<2x128x128xf32, #tpu.memory_space<vmem>>, %arg9: memref<10240x128xf32, #tpu.memory_space<vmem_shared>>, %arg10: memref<!tpu.dma_semaphore, #tpu.memory_space<semaphore_mem>>, %arg11: memref<!tpu.dma_semaphore, #tpu.memory_space<semaphore_mem>>, %arg12: memref<!tpu.dma_semaphore, #tpu.memory_space<semaphore_mem>>, %arg13: memref<!tpu.dma_semaphore, #tpu.memory_space<semaphore_mem>>, %arg14: memref<!tpu.dma_semaphore, #tpu.memory_space<semaphore_mem>>, %arg15: memref<!tpu.dma_semaphore, #tpu.memory_space<semaphore_mem>>, %arg16: memref<!tpu.dma_semaphore, #tpu.memory_space<semaphore_mem>>, %arg17: memref<!tpu.dma_semaphore, #tpu.memory_space<semaphore_mem>>) attributes {dimension_semantics = [#tpu.dimension_semantics<core_parallel>, #tpu.dimension_semantics<subcore_parallel>], iteration_bounds = array<i64: 2, 16>, scalar_prefetch = 0 : i64, scratch_operands = 12 : i64, tpu.core_type = #tpu.core_type<sc_vector_subcore>, window_params = [{transform_indices = #map}, {transform_indices = #map1}, {transform_indices = #map1}, {transform_indices = #map1}]} {
    %mul3A = arith.constant 16 : i32
    %mul3A_0 = arith.muli %arg0, %mul3A : i32
    %add3A = arith.addi %mul3A_0, %arg1 : i32
    %scan3A = arith.constant 0 : i32
    %scan3A_1 = arith.constant 0 : i32
    %scan3A_2 = arith.constant 128 : i32
    %scan3A_3 = arith.addi %scan3A_1, %scan3A_2 : i32
    %scan3A_4 = arith.constant 1 : i32
    %scan3A_5 = scf.for %scan3A_118 = %scan3A_1 to %scan3A_3 step %scan3A_4 iter_args(%scan3A_119 = %scan3A) -> (i32)  : i32 {
      %broadcast_in_dim3A = arith.constant 0.000000e+00 : f32
      %broadcast_in_dim3A_120 = vector.broadcast %broadcast_in_dim3A : f32 to vector<16xf32>
      %swap3A = arith.constant 0 : i32
      %swap3A_121 = arith.index_cast %swap3A : i32 to index
      %swap3A_122 = arith.index_cast %scan3A_118 : i32 to index
      %swap3A_123 = arith.constant 0 : index
      %swap3A_124 = tpu.vector_load %arg8[%swap3A_121, %swap3A_122, %swap3A_123] {strides = array<i32>} : memref<2x128x128xf32, #tpu.memory_space<vmem>>, vector<1x1x16xf32>,
      %swap3A_125 = vector.shape_cast %swap3A_124 : vector<1x1x16xf32> to vector<16xf32>
      %swap3A_126 = vector.shape_cast %broadcast_in_dim3A_120 : vector<16xf32> to vector<1x1x16xf32>
      tpu.vector_store %arg8[%swap3A_121, %swap3A_122, %swap3A_123], %swap3A_126 {strides = array<i32>} : memref<2x128x128xf32, #tpu.memory_space<vmem>>, vector<1x1x16xf32>,
      %broadcast_in_dim3A_127 = arith.constant 0.000000e+00 : f32
      %broadcast_in_dim3A_128 = vector.broadcast %broadcast_in_dim3A_127 : f32 to vector<16xf32>
      %swap3A_129 = arith.constant 0 : i32
      %swap3A_130 = arith.index_cast %swap3A_129 : i32 to index
      %swap3A_131 = arith.index_cast %scan3A_118 : i32 to index
      %swap3A_132 = arith.constant 16 : index
      %swap3A_133 = tpu.vector_load %arg8[%swap3A_130, %swap3A_131, %swap3A_132] {strides = array<i32>} : memref<2x128x128xf32, #tpu.memory_space<vmem>>, vector<1x1x16xf32>,
      %swap3A_134 = vector.shape_cast %swap3A_133 : vector<1x1x16xf32> to vector<16xf32>
      %swap3A_135 = vector.shape_cast %broadcast_in_dim3A_128 : vector<16xf32> to vector<1x1x16xf32>
      tpu.vector_store %arg8[%swap3A_130, %swap3A_131, %swap3A_132], %swap3A_135 {strides = array<i32>} : memref<2x128x128xf32, #tpu.memory_space<vmem>>, vector<1x1x16xf32>,
      %broadcast_in_dim3A_136 = arith.constant 0.000000e+00 : f32
      %broadcast_in_dim3A_137 = vector.broadcast %broadcast_in_dim3A_136 : f32 to vector<16xf32>
      %swap3A_138 = arith.constant 0 : i32
      %swap3A_139 = arith.index_cast %swap3A_138 : i32 to index
      %swap3A_140 = arith.index_cast %scan3A_118 : i32 to index
      %swap3A_141 = arith.constant 32 : index
      %swap3A_142 = tpu.vector_load %arg8[%swap3A_139, %swap3A_140, %swap3A_141] {strides = array<i32>} : memref<2x128x128xf32, #tpu.memory_space<vmem>>, vector<1x1x16xf32>,
      %swap3A_143 = vector.shape_cast %swap3A_142 : vector<1x1x16xf32> to vector<16xf32>
      %swap3A_144 = vector.shape_cast %broadcast_in_dim3A_137 : vector<16xf32> to vector<1x1x16xf32>
      tpu.vector_store %arg8[%swap3A_139, %swap3A_140, %swap3A_141], %swap3A_144 {strides = array<i32>} : memref<2x128x128xf32, #tpu.memory_space<vmem>>, vector<1x1x16xf32>,
      %broadcast_in_dim3A_145 = arith.constant 0.000000e+00 : f32
      %broadcast_in_dim3A_146 = vector.broadcast %broadcast_in_dim3A_145 : f32 to vector<16xf32>
      %swap3A_147 = arith.constant 0 : i32
      %swap3A_148 = arith.index_cast %swap3A_147 : i32 to index
      %swap3A_149 = arith.index_cast %scan3A_118 : i32 to index
      %swap3A_150 = arith.constant 48 : index
      %swap3A_151 = tpu.vector_load %arg8[%swap3A_148, %swap3A_149, %swap3A_150] {strides = array<i32>} : memref<2x128x128xf32, #tpu.memory_space<vmem>>, vector<1x1x16xf32>,
      %swap3A_152 = vector.shape_cast %swap3A_151 : vector<1x1x16xf32> to vector<16xf32>
      %swap3A_153 = vector.shape_cast %broadcast_in_dim3A_146 : vector<16xf32> to vector<1x1x16xf32>
      tpu.vector_store %arg8[%swap3A_148, %swap3A_149, %swap3A_150], %swap3A_153 {strides = array<i32>} : memref<2x128x128xf32, #tpu.memory_space<vmem>>, vector<1x1x16xf32>,
      %broadcast_in_dim3A_154 = arith.constant 0.000000e+00 : f32
      %broadcast_in_dim3A_155 = vector.broadcast %broadcast_in_dim3A_154 : f32 to vector<16xf32>
      %swap3A_156 = arith.constant 0 : i32
      %swap3A_157 = arith.index_cast %swap3A_156 : i32 to index
      %swap3A_158 = arith.index_cast %scan3A_118 : i32 to index
      %swap3A_159 = arith.constant 64 : index
      %swap3A_160 = tpu.vector_load %arg8[%swap3A_157, %swap3A_158, %swap3A_159] {strides = array<i32>} : memref<2x128x128xf32, #tpu.memory_space<vmem>>, vector<1x1x16xf32>,
      %swap3A_161 = vector.shape_cast %swap3A_160 : vector<1x1x16xf32> to vector<16xf32>
      %swap3A_162 = vector.shape_cast %broadcast_in_dim3A_155 : vector<16xf32> to vector<1x1x16xf32>
      tpu.vector_store %arg8[%swap3A_157, %swap3A_158, %swap3A_159], %swap3A_162 {strides = array<i32>} : memref<2x128x128xf32, #tpu.memory_space<vmem>>, vector<1x1x16xf32>,
      %broadcast_in_dim3A_163 = arith.constant 0.000000e+00 : f32
      %broadcast_in_dim3A_164 = vector.broadcast %broadcast_in_dim3A_163 : f32 to vector<16xf32>
      %swap3A_165 = arith.constant 0 : i32
      %swap3A_166 = arith.index_cast %swap3A_165 : i32 to index
      %swap3A_167 = arith.index_cast %scan3A_118 : i32 to index
      %swap3A_168 = arith.constant 80 : index
      %swap3A_169 = tpu.vector_load %arg8[%swap3A_166, %swap3A_167, %swap3A_168] {strides = array<i32>} : memref<2x128x128xf32, #tpu.memory_space<vmem>>, vector<1x1x16xf32>,
      %swap3A_170 = vector.shape_cast %swap3A_169 : vector<1x1x16xf32> to vector<16xf32>
      %swap3A_171 = vector.shape_cast %broadcast_in_dim3A_164 : vector<16xf32> to vector<1x1x16xf32>
      tpu.vector_store %arg8[%swap3A_166, %swap3A_167, %swap3A_168], %swap3A_171 {strides = array<i32>} : memref<2x128x128xf32, #tpu.memory_space<vmem>>, vector<1x1x16xf32>,
      %broadcast_in_dim3A_172 = arith.constant 0.000000e+00 : f32
      %broadcast_in_dim3A_173 = vector.broadcast %broadcast_in_dim3A_172 : f32 to vector<16xf32>
      %swap3A_174 = arith.constant 0 : i32
      %swap3A_175 = arith.index_cast %swap3A_174 : i32 to index
      %swap3A_176 = arith.index_cast %scan3A_118 : i32 to index
      %swap3A_177 = arith.constant 96 : index
      %swap3A_178 = tpu.vector_load %arg8[%swap3A_175, %swap3A_176, %swap3A_177] {strides = array<i32>} : memref<2x128x128xf32, #tpu.memory_space<vmem>>, vector<1x1x16xf32>,
      %swap3A_179 = vector.shape_cast %swap3A_178 : vector<1x1x16xf32> to vector<16xf32>
      %swap3A_180 = vector.shape_cast %broadcast_in_dim3A_173 : vector<16xf32> to vector<1x1x16xf32>
      tpu.vector_store %arg8[%swap3A_175, %swap3A_176, %swap3A_177], %swap3A_180 {strides = array<i32>} : memref<2x128x128xf32, #tpu.memory_space<vmem>>, vector<1x1x16xf32>,
      %broadcast_in_dim3A_181 = arith.constant 0.000000e+00 : f32
      %broadcast_in_dim3A_182 = vector.broadcast %broadcast_in_dim3A_181 : f32 to vector<16xf32>
      %swap3A_183 = arith.constant 0 : i32
      %swap3A_184 = arith.index_cast %swap3A_183 : i32 to index
      %swap3A_185 = arith.index_cast %scan3A_118 : i32 to index
      %swap3A_186 = arith.constant 112 : index
      %swap3A_187 = tpu.vector_load %arg8[%swap3A_184, %swap3A_185, %swap3A_186] {strides = array<i32>} : memref<2x128x128xf32, #tpu.memory_space<vmem>>, vector<1x1x16xf32>,
      %swap3A_188 = vector.shape_cast %swap3A_187 : vector<1x1x16xf32> to vector<16xf32>
      %swap3A_189 = vector.shape_cast %broadcast_in_dim3A_182 : vector<16xf32> to vector<1x1x16xf32>
      tpu.vector_store %arg8[%swap3A_184, %swap3A_185, %swap3A_186], %swap3A_189 {strides = array<i32>} : memref<2x128x128xf32, #tpu.memory_space<vmem>>, vector<1x1x16xf32>,
      %scan3A_190 = arith.constant 0 : i32
      scf.yield %scan3A_190 : i32
    }
    %scan3A_6 = arith.constant 128 : i32
    %scan3A_7 = arith.constant 0 : i32
    %scan3A_8 = arith.constant 0 : i32
    %scan3A_9 = arith.constant 5 : i32
    %scan3A_10 = arith.addi %scan3A_8, %scan3A_9 : i32
    %scan3A_11 = arith.constant 1 : i32
    %scan3A_12 = scf.for %scan3A_118 = %scan3A_8 to %scan3A_10 step %scan3A_11 iter_args(%scan3A_119 = %scan3A_7) -> (i32)  : i32 {
      %mul3A_120 = arith.constant 640 : i32
      %mul3A_121 = arith.muli %arg1, %mul3A_120 : i32
      %mul3A_122 = arith.constant 128 : i32
      %mul3A_123 = arith.muli %scan3A_118, %mul3A_122 : i32
      %add3A_124 = arith.addi %mul3A_121, %mul3A_123 : i32
      %run_scoped3A = arith.constant 0 : i32
      "tpu.region"() ({
        %run_scoped3A_126 = tpu.sem_alloc : memref<!tpu.dma_semaphore, #tpu.memory_space<semaphore_mem>>
        %dma_start3A_127 = arith.constant 0 : i32
        %dma_start3A_128 = arith.constant 0 : i32
        %dma_start3A_129 = tpu.memref_slice %arg8[%run_scoped3A, %dma_start3A_127, %dma_start3A_128] : memref<2x128x128xf32, #tpu.memory_space<vmem>> -> memref<1x128x128xf32, #tpu.memory_space<vmem>>
        %dma_start3A_130 = tpu.memref_squeeze %dma_start3A_129 : memref<1x128x128xf32, #tpu.memory_space<vmem>> -> memref<128x128xf32, #tpu.memory_space<vmem>>
        %dma_start3A_131 = arith.constant 0 : i32
        %dma_start3A_132 = tpu.memref_slice %arg9[%add3A_124, %dma_start3A_131] : memref<10240x128xf32, #tpu.memory_space<vmem_shared>> -> memref<128x128xf32, #tpu.memory_space<vmem_shared>>
        %dma_start3A_133 = arith.constant 0 : i32
        %dma_start3A_134 = tpu.memref_slice %arg9[%add3A_124, %dma_start3A_133] : memref<10240x128xf32, #tpu.memory_space<vmem_shared>> -> memref<128x128xf32, #tpu.memory_space<vmem_shared>>
        %dma_start3A_135 = arith.constant 0 : i32
        %dma_start3A_136 = arith.constant 0 : i32
        %dma_start3A_137 = tpu.memref_slice %arg8[%run_scoped3A, %dma_start3A_135, %dma_start3A_136] : memref<2x128x128xf32, #tpu.memory_space<vmem>> -> memref<1x128x128xf32, #tpu.memory_space<vmem>>
        %dma_start3A_138 = tpu.memref_squeeze %dma_start3A_137 : memref<1x128x128xf32, #tpu.memory_space<vmem>> -> memref<128x128xf32, #tpu.memory_space<vmem>>
        tpu.enqueue_dma source(%dma_start3A_138 : memref<128x128xf32, #tpu.memory_space<vmem>>) target(%dma_start3A_134 : memref<128x128xf32, #tpu.memory_space<vmem_shared>>) target_semaphore(%run_scoped3A_126 : memref<!tpu.dma_semaphore, #tpu.memory_space<semaphore_mem>>)
        %dma_wait3A_139 = arith.constant 0 : i32
        %dma_wait3A_140 = arith.constant 0 : i32
        %dma_wait3A_141 = tpu.memref_slice %arg8[%run_scoped3A, %dma_wait3A_139, %dma_wait3A_140] : memref<2x128x128xf32, #tpu.memory_space<vmem>> -> memref<1x128x128xf32, #tpu.memory_space<vmem>>
        %dma_wait3A_142 = tpu.memref_squeeze %dma_wait3A_141 : memref<1x128x128xf32, #tpu.memory_space<vmem>> -> memref<128x128xf32, #tpu.memory_space<vmem>>
        %dma_wait3A_143 = arith.constant 0 : i32
        %dma_wait3A_144 = tpu.memref_slice %arg9[%add3A_124, %dma_wait3A_143] : memref<10240x128xf32, #tpu.memory_space<vmem_shared>> -> memref<128x128xf32, #tpu.memory_space<vmem_shared>>
        %dma_wait3A_145 = arith.constant 0 : i32
        %dma_wait3A_146 = tpu.memref_slice %arg9[%add3A_124, %dma_wait3A_145] : memref<10240x128xf32, #tpu.memory_space<vmem_shared>> -> memref<128x128xf32, #tpu.memory_space<vmem_shared>>
        %dma_wait3A_147 = arith.constant 0 : i32
        %dma_wait3A_148 = arith.constant 0 : i32
        %dma_wait3A_149 = tpu.memref_slice %arg8[%run_scoped3A, %dma_wait3A_147, %dma_wait3A_148] : memref<2x128x128xf32, #tpu.memory_space<vmem>> -> memref<1x128x128xf32, #tpu.memory_space<vmem>>
        %dma_wait3A_150 = tpu.memref_squeeze %dma_wait3A_149 : memref<1x128x128xf32, #tpu.memory_space<vmem>> -> memref<128x128xf32, #tpu.memory_space<vmem>>
        tpu.wait_dma2 semaphore(%run_scoped3A_126 : memref<!tpu.dma_semaphore, #tpu.memory_space<semaphore_mem>>) src(%dma_wait3A_150 : memref<128x128xf32, #tpu.memory_space<vmem>>) dst(%dma_wait3A_146 : memref<128x128xf32, #tpu.memory_space<vmem_shared>>)
        tpu.yield
      }) : () -> ()
      %scan3A_125 = arith.constant 0 : i32
      scf.yield %scan3A_125 : i32
    }
    %scan3A_13 = arith.constant 5 : i32
    %barrier3A = arith.constant 0 : index
    tpu.barrier barrier_id(%barrier3A)
    %dma_start3A = arith.constant 0 : i32
    %dma_start3A_14 = arith.constant 0 : i32
    %dma_start3A_15 = arith.constant 0 : i32
    %dma_start3A_16 = tpu.memref_slice %arg6[%dma_start3A_14, %dma_start3A_15] : memref<2x128xi32, #tpu.memory_space<vmem>> -> memref<1x128xi32, #tpu.memory_space<vmem>>
    %dma_start3A_17 = tpu.memref_squeeze %dma_start3A_16 : memref<1x128xi32, #tpu.memory_space<vmem>> -> memref<128xi32, #tpu.memory_space<vmem>>
    %dma_start3A_18 = arith.constant 0 : i32
    %dma_start3A_19 = tpu.memref_slice %arg3[%add3A, %dma_start3A, %dma_start3A_18] : memref<32x80x128xi32, #tpu.memory_space<hbm>> -> memref<1x1x128xi32, #tpu.memory_space<hbm>>
    %dma_start3A_20 = tpu.memref_squeeze %dma_start3A_19 : memref<1x1x128xi32, #tpu.memory_space<hbm>> -> memref<128xi32, #tpu.memory_space<hbm>>
    %dma_start3A_21 = arith.constant 0 : i32
    %dma_start3A_22 = tpu.memref_slice %arg6[%dma_start3A_14, %dma_start3A_21] : memref<2x128xi32, #tpu.memory_space<vmem>> -> memref<1x128xi32, #tpu.memory_space<vmem>>
    %dma_start3A_23 = tpu.memref_squeeze %dma_start3A_22 : memref<1x128xi32, #tpu.memory_space<vmem>> -> memref<128xi32, #tpu.memory_space<vmem>>
    %dma_start3A_24 = arith.constant 0 : i32
    %dma_start3A_25 = tpu.memref_slice %arg3[%add3A, %dma_start3A, %dma_start3A_24] : memref<32x80x128xi32, #tpu.memory_space<hbm>> -> memref<1x1x128xi32, #tpu.memory_space<hbm>>
    %dma_start3A_26 = tpu.memref_squeeze %dma_start3A_25 : memref<1x1x128xi32, #tpu.memory_space<hbm>> -> memref<128xi32, #tpu.memory_space<hbm>>
    tpu.enqueue_dma source(%dma_start3A_26 : memref<128xi32, #tpu.memory_space<hbm>>) target(%dma_start3A_23 : memref<128xi32, #tpu.memory_space<vmem>>) target_semaphore(%arg10 : memref<!tpu.dma_semaphore, #tpu.memory_space<semaphore_mem>>)
    %dma_start3A_27 = arith.constant 1 : i32
    %dma_start3A_28 = arith.constant 1 : i32
    %dma_start3A_29 = arith.constant 0 : i32
    %dma_start3A_30 = tpu.memref_slice %arg6[%dma_start3A_28, %dma_start3A_29] : memref<2x128xi32, #tpu.memory_space<vmem>> -> memref<1x128xi32, #tpu.memory_space<vmem>>
    %dma_start3A_31 = tpu.memref_squeeze %dma_start3A_30 : memref<1x128xi32, #tpu.memory_space<vmem>> -> memref<128xi32, #tpu.memory_space<vmem>>
    %dma_start3A_32 = arith.constant 0 : i32
    %dma_start3A_33 = tpu.memref_slice %arg3[%add3A, %dma_start3A_27, %dma_start3A_32] : memref<32x80x128xi32, #tpu.memory_space<hbm>> -> memref<1x1x128xi32, #tpu.memory_space<hbm>>
    %dma_start3A_34 = tpu.memref_squeeze %dma_start3A_33 : memref<1x1x128xi32, #tpu.memory_space<hbm>> -> memref<128xi32, #tpu.memory_space<hbm>>
    %dma_start3A_35 = arith.constant 0 : i32
    %dma_start3A_36 = tpu.memref_slice %arg6[%dma_start3A_28, %dma_start3A_35] : memref<2x128xi32, #tpu.memory_space<vmem>> -> memref<1x128xi32, #tpu.memory_space<vmem>>
    %dma_start3A_37 = tpu.memref_squeeze %dma_start3A_36 : memref<1x128xi32, #tpu.memory_space<vmem>> -> memref<128xi32, #tpu.memory_space<vmem>>
    %dma_start3A_38 = arith.constant 0 : i32
    %dma_start3A_39 = tpu.memref_slice %arg3[%add3A, %dma_start3A_27, %dma_start3A_38] : memref<32x80x128xi32, #tpu.memory_space<hbm>> -> memref<1x1x128xi32, #tpu.memory_space<hbm>>
    %dma_start3A_40 = tpu.memref_squeeze %dma_start3A_39 : memref<1x1x128xi32, #tpu.memory_space<hbm>> -> memref<128xi32, #tpu.memory_space<hbm>>
    tpu.enqueue_dma source(%dma_start3A_40 : memref<128xi32, #tpu.memory_space<hbm>>) target(%dma_start3A_37 : memref<128xi32, #tpu.memory_space<vmem>>) target_semaphore(%arg11 : memref<!tpu.dma_semaphore, #tpu.memory_space<semaphore_mem>>)
    %dma_start3A_41 = arith.constant 0 : i32
    %dma_start3A_42 = arith.constant 0 : i32
    %dma_start3A_43 = arith.constant 0 : i32
    %dma_start3A_44 = tpu.memref_slice %arg7[%dma_start3A_42, %dma_start3A_43] : memref<2x128xi32, #tpu.memory_space<vmem>> -> memref<1x128xi32, #tpu.memory_space<vmem>>
    %dma_start3A_45 = tpu.memref_squeeze %dma_start3A_44 : memref<1x128xi32, #tpu.memory_space<vmem>> -> memref<128xi32, #tpu.memory_space<vmem>>
    %dma_start3A_46 = arith.constant 0 : i32
    %dma_start3A_47 = tpu.memref_slice %arg4[%add3A, %dma_start3A_41, %dma_start3A_46] : memref<32x80x128xi32, #tpu.memory_space<hbm>> -> memref<1x1x128xi32, #tpu.memory_space<hbm>>
    %dma_start3A_48 = tpu.memref_squeeze %dma_start3A_47 : memref<1x1x128xi32, #tpu.memory_space<hbm>> -> memref<128xi32, #tpu.memory_space<hbm>>
    %dma_start3A_49 = arith.constant 0 : i32
    %dma_start3A_50 = tpu.memref_slice %arg7[%dma_start3A_42, %dma_start3A_49] : memref<2x128xi32, #tpu.memory_space<vmem>> -> memref<1x128xi32, #tpu.memory_space<vmem>>
    %dma_start3A_51 = tpu.memref_squeeze %dma_start3A_50 : memref<1x128xi32, #tpu.memory_space<vmem>> -> memref<128xi32, #tpu.memory_space<vmem>>
    %dma_start3A_52 = arith.constant 0 : i32
    %dma_start3A_53 = tpu.memref_slice %arg4[%add3A, %dma_start3A_41, %dma_start3A_52] : memref<32x80x128xi32, #tpu.memory_space<hbm>> -> memref<1x1x128xi32, #tpu.memory_space<hbm>>
    %dma_start3A_54 = tpu.memref_squeeze %dma_start3A_53 : memref<1x1x128xi32, #tpu.memory_space<hbm>> -> memref<128xi32, #tpu.memory_space<hbm>>
    tpu.enqueue_dma source(%dma_start3A_54 : memref<128xi32, #tpu.memory_space<hbm>>) target(%dma_start3A_51 : memref<128xi32, #tpu.memory_space<vmem>>) target_semaphore(%arg12 : memref<!tpu.dma_semaphore, #tpu.memory_space<semaphore_mem>>)
    %dma_start3A_55 = arith.constant 1 : i32
    %dma_start3A_56 = arith.constant 1 : i32
    %dma_start3A_57 = arith.constant 0 : i32
    %dma_start3A_58 = tpu.memref_slice %arg7[%dma_start3A_56, %dma_start3A_57] : memref<2x128xi32, #tpu.memory_space<vmem>> -> memref<1x128xi32, #tpu.memory_space<vmem>>
    %dma_start3A_59 = tpu.memref_squeeze %dma_start3A_58 : memref<1x128xi32, #tpu.memory_space<vmem>> -> memref<128xi32, #tpu.memory_space<vmem>>
    %dma_start3A_60 = arith.constant 0 : i32
    %dma_start3A_61 = tpu.memref_slice %arg4[%add3A, %dma_start3A_55, %dma_start3A_60] : memref<32x80x128xi32, #tpu.memory_space<hbm>> -> memref<1x1x128xi32, #tpu.memory_space<hbm>>
    %dma_start3A_62 = tpu.memref_squeeze %dma_start3A_61 : memref<1x1x128xi32, #tpu.memory_space<hbm>> -> memref<128xi32, #tpu.memory_space<hbm>>
    %dma_start3A_63 = arith.constant 0 : i32
    %dma_start3A_64 = tpu.memref_slice %arg7[%dma_start3A_56, %dma_start3A_63] : memref<2x128xi32, #tpu.memory_space<vmem>> -> memref<1x128xi32, #tpu.memory_space<vmem>>
    %dma_start3A_65 = tpu.memref_squeeze %dma_start3A_64 : memref<1x128xi32, #tpu.memory_space<vmem>> -> memref<128xi32, #tpu.memory_space<vmem>>
    %dma_start3A_66 = arith.constant 0 : i32
    %dma_start3A_67 = tpu.memref_slice %arg4[%add3A, %dma_start3A_55, %dma_start3A_66] : memref<32x80x128xi32, #tpu.memory_space<hbm>> -> memref<1x1x128xi32, #tpu.memory_space<hbm>>
    %dma_start3A_68 = tpu.memref_squeeze %dma_start3A_67 : memref<1x1x128xi32, #tpu.memory_space<hbm>> -> memref<128xi32, #tpu.memory_space<hbm>>
    tpu.enqueue_dma source(%dma_start3A_68 : memref<128xi32, #tpu.memory_space<hbm>>) target(%dma_start3A_65 : memref<128xi32, #tpu.memory_space<vmem>>) target_semaphore(%arg13 : memref<!tpu.dma_semaphore, #tpu.memory_space<semaphore_mem>>)
    %dma_wait3A = arith.constant 0 : i32
    %dma_wait3A_69 = arith.constant 0 : i32
    %dma_wait3A_70 = arith.constant 0 : i32
    %dma_wait3A_71 = tpu.memref_slice %arg6[%dma_wait3A_69, %dma_wait3A_70] : memref<2x128xi32, #tpu.memory_space<vmem>> -> memref<1x128xi32, #tpu.memory_space<vmem>>
    %dma_wait3A_72 = tpu.memref_squeeze %dma_wait3A_71 : memref<1x128xi32, #tpu.memory_space<vmem>> -> memref<128xi32, #tpu.memory_space<vmem>>
    %dma_wait3A_73 = arith.constant 0 : i32
    %dma_wait3A_74 = tpu.memref_slice %arg3[%add3A, %dma_wait3A, %dma_wait3A_73] : memref<32x80x128xi32, #tpu.memory_space<hbm>> -> memref<1x1x128xi32, #tpu.memory_space<hbm>>
    %dma_wait3A_75 = tpu.memref_squeeze %dma_wait3A_74 : memref<1x1x128xi32, #tpu.memory_space<hbm>> -> memref<128xi32, #tpu.memory_space<hbm>>
    %dma_wait3A_76 = arith.constant 0 : i32
    %dma_wait3A_77 = tpu.memref_slice %arg6[%dma_wait3A_69, %dma_wait3A_76] : memref<2x128xi32, #tpu.memory_space<vmem>> -> memref<1x128xi32, #tpu.memory_space<vmem>>
    %dma_wait3A_78 = tpu.memref_squeeze %dma_wait3A_77 : memref<1x128xi32, #tpu.memory_space<vmem>> -> memref<128xi32, #tpu.memory_space<vmem>>
    %dma_wait3A_79 = arith.constant 0 : i32
    %dma_wait3A_80 = tpu.memref_slice %arg3[%add3A, %dma_wait3A, %dma_wait3A_79] : memref<32x80x128xi32, #tpu.memory_space<hbm>> -> memref<1x1x128xi32, #tpu.memory_space<hbm>>
    %dma_wait3A_81 = tpu.memref_squeeze %dma_wait3A_80 : memref<1x1x128xi32, #tpu.memory_space<hbm>> -> memref<128xi32, #tpu.memory_space<hbm>>
    tpu.wait_dma2 semaphore(%arg10 : memref<!tpu.dma_semaphore, #tpu.memory_space<semaphore_mem>>) src(%dma_wait3A_81 : memref<128xi32, #tpu.memory_space<hbm>>) dst(%dma_wait3A_78 : memref<128xi32, #tpu.memory_space<vmem>>)
    %dma_start3A_82 = arith.constant 0 : i32
    %dma_start3A_83 = arith.constant 0 : i32
    %dma_start3A_84 = arith.constant 0 : i32
    %dma_start3A_85 = arith.constant 0 : i32
    %dma_start3A_86 = tpu.memref_slice %arg8[%dma_start3A_83, %dma_start3A_84, %dma_start3A_85] : memref<2x128x128xf32, #tpu.memory_space<vmem>> -> memref<1x128x128xf32, #tpu.memory_space<vmem>>
    %dma_start3A_87 = tpu.memref_squeeze %dma_start3A_86 : memref<1x128x128xf32, #tpu.memory_space<vmem>> -> memref<128x128xf32, #tpu.memory_space<vmem>>
    %dma_start3A_88 = arith.constant 0 : i32
    %dma_start3A_89 = tpu.memref_slice %arg6[%dma_start3A_82, %dma_start3A_88] : memref<2x128xi32, #tpu.memory_space<vmem>> -> memref<1x128xi32, #tpu.memory_space<vmem>>
    %dma_start3A_90 = tpu.memref_squeeze %dma_start3A_89 : memref<1x128xi32, #tpu.memory_space<vmem>> -> memref<128xi32, #tpu.memory_space<vmem>>
    %dma_start3A_91 = arith.constant 0 : i32
    %dma_start3A_92 = arith.constant 0 : i32
    %dma_start3A_93 = tpu.memref_slice %arg2[%dma_start3A_91, %dma_start3A_92] : memref<10000x128xf32, #tpu.memory_space<hbm>> -> memref<10000x128xf32, #tpu.memory_space<hbm>>
    tpu.enqueue_indirect_dma source(%dma_start3A_93 : memref<10000x128xf32, #tpu.memory_space<hbm>>) target(%dma_start3A_87 : memref<128x128xf32, #tpu.memory_space<vmem>>) offsets(%dma_start3A_90 : memref<128xi32, #tpu.memory_space<vmem>>) semaphore(%arg14 : memref<!tpu.dma_semaphore, #tpu.memory_space<semaphore_mem>>)
    %scan3A_94 = arith.constant 0 : i32
    %scan3A_95 = arith.constant 0 : i32
    %scan3A_96 = arith.constant 40 : i32
    %scan3A_97 = arith.addi %scan3A_95, %scan3A_96 : i32
    %scan3A_98 = arith.constant 1 : i32
    %scan3A_99 = scf.for %scan3A_118 = %scan3A_95 to %scan3A_97 step %scan3A_98 iter_args(%scan3A_119 = %scan3A_94) -> (i32)  : i32 {
      %mul3A_120 = arith.constant 2 : i32
      %mul3A_121 = arith.muli %mul3A_120, %scan3A_118 : i32
      %add3A_122 = arith.constant 1 : i32
      %add3A_123 = arith.addi %scan3A_118, %add3A_122 : i32
      %lt3A = arith.constant 40 : i32
      %lt3A_124 = arith.cmpi slt, %add3A_123, %lt3A : i32
      %add3A_125 = arith.constant 1 : i32
      %add3A_126 = arith.addi %mul3A_121, %add3A_125 : i32
      %dma_wait3A_127 = arith.constant 1 : i32
      %dma_wait3A_128 = arith.constant 0 : i32
      %dma_wait3A_129 = tpu.memref_slice %arg6[%dma_wait3A_127, %dma_wait3A_128] : memref<2x128xi32, #tpu.memory_space<vmem>> -> memref<1x128xi32, #tpu.memory_space<vmem>>
      %dma_wait3A_130 = tpu.memref_squeeze %dma_wait3A_129 : memref<1x128xi32, #tpu.memory_space<vmem>> -> memref<128xi32, #tpu.memory_space<vmem>>
      %dma_wait3A_131 = arith.constant 0 : i32
      %dma_wait3A_132 = tpu.memref_slice %arg3[%add3A, %add3A_126, %dma_wait3A_131] : memref<32x80x128xi32, #tpu.memory_space<hbm>> -> memref<1x1x128xi32, #tpu.memory_space<hbm>>
      %dma_wait3A_133 = tpu.memref_squeeze %dma_wait3A_132 : memref<1x1x128xi32, #tpu.memory_space<hbm>> -> memref<128xi32, #tpu.memory_space<hbm>>
      %dma_wait3A_134 = arith.constant 0 : i32
      %dma_wait3A_135 = tpu.memref_slice %arg6[%dma_wait3A_127, %dma_wait3A_134] : memref<2x128xi32, #tpu.memory_space<vmem>> -> memref<1x128xi32, #tpu.memory_space<vmem>>
      %dma_wait3A_136 = tpu.memref_squeeze %dma_wait3A_135 : memref<1x128xi32, #tpu.memory_space<vmem>> -> memref<128xi32, #tpu.memory_space<vmem>>
      %dma_wait3A_137 = arith.constant 0 : i32
      %dma_wait3A_138 = tpu.memref_slice %arg3[%add3A, %add3A_126, %dma_wait3A_137] : memref<32x80x128xi32, #tpu.memory_space<hbm>> -> memref<1x1x128xi32, #tpu.memory_space<hbm>>
      %dma_wait3A_139 = tpu.memref_squeeze %dma_wait3A_138 : memref<1x1x128xi32, #tpu.memory_space<hbm>> -> memref<128xi32, #tpu.memory_space<hbm>>
      tpu.wait_dma2 semaphore(%arg11 : memref<!tpu.dma_semaphore, #tpu.memory_space<semaphore_mem>>) src(%dma_wait3A_139 : memref<128xi32, #tpu.memory_space<hbm>>) dst(%dma_wait3A_136 : memref<128xi32, #tpu.memory_space<vmem>>)
      %dma_wait3A_140 = arith.constant 0 : i32
      %dma_wait3A_141 = arith.constant 0 : i32
      %dma_wait3A_142 = arith.constant 0 : i32
      %dma_wait3A_143 = arith.constant 0 : i32
      %dma_wait3A_144 = tpu.memref_slice %arg8[%dma_wait3A_141, %dma_wait3A_142, %dma_wait3A_143] : memref<2x128x128xf32, #tpu.memory_space<vmem>> -> memref<1x128x128xf32, #tpu.memory_space<vmem>>
      %dma_wait3A_145 = tpu.memref_squeeze %dma_wait3A_144 : memref<1x128x128xf32, #tpu.memory_space<vmem>> -> memref<128x128xf32, #tpu.memory_space<vmem>>
      %dma_wait3A_146 = arith.constant 0 : i32
      %dma_wait3A_147 = tpu.memref_slice %arg6[%dma_wait3A_140, %dma_wait3A_146] : memref<2x128xi32, #tpu.memory_space<vmem>> -> memref<1x128xi32, #tpu.memory_space<vmem>>
      %dma_wait3A_148 = tpu.memref_squeeze %dma_wait3A_147 : memref<1x128xi32, #tpu.memory_space<vmem>> -> memref<128xi32, #tpu.memory_space<vmem>>
      %dma_wait3A_149 = arith.constant 0 : i32
      %dma_wait3A_150 = arith.constant 0 : i32
      %dma_wait3A_151 = tpu.memref_slice %arg2[%dma_wait3A_149, %dma_wait3A_150] : memref<10000x128xf32, #tpu.memory_space<hbm>> -> memref<10000x128xf32, #tpu.memory_space<hbm>>
      tpu.wait_indirect_dma semaphore(%arg14 : memref<!tpu.dma_semaphore, #tpu.memory_space<semaphore_mem>>) src(%dma_wait3A_151 : memref<10000x128xf32, #tpu.memory_space<hbm>>) dst(%dma_wait3A_145 : memref<128x128xf32, #tpu.memory_space<vmem>>)
      %gt3A = arith.constant 0 : i32
      %gt3A_152 = arith.cmpi sgt, %scan3A_118, %gt3A : i32
      %convert_element_type3A = arith.extui %gt3A_152 : i1 to i32
      %cond3A = arith.constant 0 : i32
      %cond3A_153 = arith.cmpi ne, %convert_element_type3A, %cond3A : i32
      scf.if %cond3A_153 {
        %dma_wait3A_252 = arith.constant 1 : i32
        %dma_wait3A_253 = arith.constant 1 : i32
        %dma_wait3A_254 = arith.constant 0 : i32
        %dma_wait3A_255 = arith.constant 0 : i32
        %dma_wait3A_256 = tpu.memref_slice %arg8[%dma_wait3A_252, %dma_wait3A_254, %dma_wait3A_255] : memref<2x128x128xf32, #tpu.memory_space<vmem>> -> memref<1x128x128xf32, #tpu.memory_space<vmem>>
        %dma_wait3A_257 = tpu.memref_squeeze %dma_wait3A_256 : memref<1x128x128xf32, #tpu.memory_space<vmem>> -> memref<128x128xf32, #tpu.memory_space<vmem>>
        %dma_wait3A_258 = arith.constant 0 : i32
        %dma_wait3A_259 = tpu.memref_slice %arg7[%dma_wait3A_253, %dma_wait3A_258] : memref<2x128xi32, #tpu.memory_space<vmem>> -> memref<1x128xi32, #tpu.memory_space<vmem>>
        %dma_wait3A_260 = tpu.memref_squeeze %dma_wait3A_259 : memref<1x128xi32, #tpu.memory_space<vmem>> -> memref<128xi32, #tpu.memory_space<vmem>>
        %dma_wait3A_261 = arith.constant 0 : i32
        %dma_wait3A_262 = arith.constant 0 : i32
        %dma_wait3A_263 = tpu.memref_slice %arg9[%dma_wait3A_261, %dma_wait3A_262] : memref<10240x128xf32, #tpu.memory_space<vmem_shared>> -> memref<10240x128xf32, #tpu.memory_space<vmem_shared>>
        tpu.wait_indirect_dma semaphore(%arg17 : memref<!tpu.dma_semaphore, #tpu.memory_space<semaphore_mem>>) src(%dma_wait3A_257 : memref<128x128xf32, #tpu.memory_space<vmem>>) dst(%dma_wait3A_263 : memref<10240x128xf32, #tpu.memory_space<vmem_shared>>)
        %add3A_264 = arith.constant 1 : i32
        %add3A_265 = arith.addi %mul3A_121, %add3A_264 : i32
        %dma_start3A_266 = arith.constant 1 : i32
        %dma_start3A_267 = arith.constant 0 : i32
        %dma_start3A_268 = tpu.memref_slice %arg7[%dma_start3A_266, %dma_start3A_267] : memref<2x128xi32, #tpu.memory_space<vmem>> -> memref<1x128xi32, #tpu.memory_space<vmem>>
        %dma_start3A_269 = tpu.memref_squeeze %dma_start3A_268 : memref<1x128xi32, #tpu.memory_space<vmem>> -> memref<128xi32, #tpu.memory_space<vmem>>
        %dma_start3A_270 = arith.constant 0 : i32
        %dma_start3A_271 = tpu.memref_slice %arg4[%add3A, %add3A_265, %dma_start3A_270] : memref<32x80x128xi32, #tpu.memory_space<hbm>> -> memref<1x1x128xi32, #tpu.memory_space<hbm>>
        %dma_start3A_272 = tpu.memref_squeeze %dma_start3A_271 : memref<1x1x128xi32, #tpu.memory_space<hbm>> -> memref<128xi32, #tpu.memory_space<hbm>>
        %dma_start3A_273 = arith.constant 0 : i32
        %dma_start3A_274 = tpu.memref_slice %arg7[%dma_start3A_266, %dma_start3A_273] : memref<2x128xi32, #tpu.memory_space<vmem>> -> memref<1x128xi32, #tpu.memory_space<vmem>>
        %dma_start3A_275 = tpu.memref_squeeze %dma_start3A_274 : memref<1x128xi32, #tpu.memory_space<vmem>> -> memref<128xi32, #tpu.memory_space<vmem>>
        %dma_start3A_276 = arith.constant 0 : i32
        %dma_start3A_277 = tpu.memref_slice %arg4[%add3A, %add3A_265, %dma_start3A_276] : memref<32x80x128xi32, #tpu.memory_space<hbm>> -> memref<1x1x128xi32, #tpu.memory_space<hbm>>
        %dma_start3A_278 = tpu.memref_squeeze %dma_start3A_277 : memref<1x1x128xi32, #tpu.memory_space<hbm>> -> memref<128xi32, #tpu.memory_space<hbm>>
        tpu.enqueue_dma source(%dma_start3A_278 : memref<128xi32, #tpu.memory_space<hbm>>) target(%dma_start3A_275 : memref<128xi32, #tpu.memory_space<vmem>>) target_semaphore(%arg13 : memref<!tpu.dma_semaphore, #tpu.memory_space<semaphore_mem>>)
      } else {
      }
      %dma_start3A_154 = arith.constant 1 : i32
      %dma_start3A_155 = arith.constant 1 : i32
      %dma_start3A_156 = arith.constant 0 : i32
      %dma_start3A_157 = arith.constant 0 : i32
      %dma_start3A_158 = tpu.memref_slice %arg8[%dma_start3A_155, %dma_start3A_156, %dma_start3A_157] : memref<2x128x128xf32, #tpu.memory_space<vmem>> -> memref<1x128x128xf32, #tpu.memory_space<vmem>>
      %dma_start3A_159 = tpu.memref_squeeze %dma_start3A_158 : memref<1x128x128xf32, #tpu.memory_space<vmem>> -> memref<128x128xf32, #tpu.memory_space<vmem>>
      %dma_start3A_160 = arith.constant 0 : i32
      %dma_start3A_161 = tpu.memref_slice %arg6[%dma_start3A_154, %dma_start3A_160] : memref<2x128xi32, #tpu.memory_space<vmem>> -> memref<1x128xi32, #tpu.memory_space<vmem>>
      %dma_start3A_162 = tpu.memref_squeeze %dma_start3A_161 : memref<1x128xi32, #tpu.memory_space<vmem>> -> memref<128xi32, #tpu.memory_space<vmem>>
      %dma_start3A_163 = arith.constant 0 : i32
      %dma_start3A_164 = arith.constant 0 : i32
      %dma_start3A_165 = tpu.memref_slice %arg2[%dma_start3A_163, %dma_start3A_164] : memref<10000x128xf32, #tpu.memory_space<hbm>> -> memref<10000x128xf32, #tpu.memory_space<hbm>>
      tpu.enqueue_indirect_dma source(%dma_start3A_165 : memref<10000x128xf32, #tpu.memory_space<hbm>>) target(%dma_start3A_159 : memref<128x128xf32, #tpu.memory_space<vmem>>) offsets(%dma_start3A_162 : memref<128xi32, #tpu.memory_space<vmem>>) semaphore(%arg15 : memref<!tpu.dma_semaphore, #tpu.memory_space<semaphore_mem>>)
      %dma_wait3A_166 = arith.constant 0 : i32
      %dma_wait3A_167 = arith.constant 0 : i32
      %dma_wait3A_168 = tpu.memref_slice %arg7[%dma_wait3A_166, %dma_wait3A_167] : memref<2x128xi32, #tpu.memory_space<vmem>> -> memref<1x128xi32, #tpu.memory_space<vmem>>
      %dma_wait3A_169 = tpu.memref_squeeze %dma_wait3A_168 : memref<1x128xi32, #tpu.memory_space<vmem>> -> memref<128xi32, #tpu.memory_space<vmem>>
      %dma_wait3A_170 = arith.constant 0 : i32
      %dma_wait3A_171 = tpu.memref_slice %arg4[%add3A, %mul3A_121, %dma_wait3A_170] : memref<32x80x128xi32, #tpu.memory_space<hbm>> -> memref<1x1x128xi32, #tpu.memory_space<hbm>>
      %dma_wait3A_172 = tpu.memref_squeeze %dma_wait3A_171 : memref<1x1x128xi32, #tpu.memory_space<hbm>> -> memref<128xi32, #tpu.memory_space<hbm>>
      %dma_wait3A_173 = arith.constant 0 : i32
      %dma_wait3A_174 = tpu.memref_slice %arg7[%dma_wait3A_166, %dma_wait3A_173] : memref<2x128xi32, #tpu.memory_space<vmem>> -> memref<1x128xi32, #tpu.memory_space<vmem>>
      %dma_wait3A_175 = tpu.memref_squeeze %dma_wait3A_174 : memref<1x128xi32, #tpu.memory_space<vmem>> -> memref<128xi32, #tpu.memory_space<vmem>>
      %dma_wait3A_176 = arith.constant 0 : i32
      %dma_wait3A_177 = tpu.memref_slice %arg4[%add3A, %mul3A_121, %dma_wait3A_176] : memref<32x80x128xi32, #tpu.memory_space<hbm>> -> memref<1x1x128xi32, #tpu.memory_space<hbm>>
      %dma_wait3A_178 = tpu.memref_squeeze %dma_wait3A_177 : memref<1x1x128xi32, #tpu.memory_space<hbm>> -> memref<128xi32, #tpu.memory_space<hbm>>
      tpu.wait_dma2 semaphore(%arg12 : memref<!tpu.dma_semaphore, #tpu.memory_space<semaphore_mem>>) src(%dma_wait3A_178 : memref<128xi32, #tpu.memory_space<hbm>>) dst(%dma_wait3A_175 : memref<128xi32, #tpu.memory_space<vmem>>)
      %dma_start3A_179 = arith.constant 0 : i32
      %dma_start3A_180 = arith.constant 0 : i32
      %dma_start3A_181 = arith.constant 0 : i32
      %dma_start3A_182 = arith.constant 0 : i32
      %dma_start3A_183 = tpu.memref_slice %arg8[%dma_start3A_179, %dma_start3A_181, %dma_start3A_182] : memref<2x128x128xf32, #tpu.memory_space<vmem>> -> memref<1x128x128xf32, #tpu.memory_space<vmem>>
      %dma_start3A_184 = tpu.memref_squeeze %dma_start3A_183 : memref<1x128x128xf32, #tpu.memory_space<vmem>> -> memref<128x128xf32, #tpu.memory_space<vmem>>
      %dma_start3A_185 = arith.constant 0 : i32
      %dma_start3A_186 = tpu.memref_slice %arg7[%dma_start3A_180, %dma_start3A_185] : memref<2x128xi32, #tpu.memory_space<vmem>> -> memref<1x128xi32, #tpu.memory_space<vmem>>
      %dma_start3A_187 = tpu.memref_squeeze %dma_start3A_186 : memref<1x128xi32, #tpu.memory_space<vmem>> -> memref<128xi32, #tpu.memory_space<vmem>>
      %dma_start3A_188 = arith.constant 0 : i32
      %dma_start3A_189 = arith.constant 0 : i32
      %dma_start3A_190 = tpu.memref_slice %arg9[%dma_start3A_188, %dma_start3A_189] : memref<10240x128xf32, #tpu.memory_space<vmem_shared>> -> memref<10240x128xf32, #tpu.memory_space<vmem_shared>>
      tpu.enqueue_indirect_dma source(%dma_start3A_184 : memref<128x128xf32, #tpu.memory_space<vmem>>) target(%dma_start3A_190 : memref<10240x128xf32, #tpu.memory_space<vmem_shared>>) offsets(%dma_start3A_187 : memref<128xi32, #tpu.memory_space<vmem>>) semaphore(%arg16 : memref<!tpu.dma_semaphore, #tpu.memory_space<semaphore_mem>>) {add = true}
      %convert_element_type3A_191 = arith.extui %lt3A_124 : i1 to i32
      %cond3A_192 = arith.constant 0 : i32
      %cond3A_193 = arith.cmpi ne, %convert_element_type3A_191, %cond3A_192 : i32
      scf.if %cond3A_193 {
        %add3A_252 = arith.constant 2 : i32
        %add3A_253 = arith.addi %mul3A_121, %add3A_252 : i32
        %dma_start3A_254 = arith.constant 0 : i32
        %dma_start3A_255 = arith.constant 0 : i32
        %dma_start3A_256 = tpu.memref_slice %arg6[%dma_start3A_254, %dma_start3A_255] : memref<2x128xi32, #tpu.memory_space<vmem>> -> memref<1x128xi32, #tpu.memory_space<vmem>>
        %dma_start3A_257 = tpu.memref_squeeze %dma_start3A_256 : memref<1x128xi32, #tpu.memory_space<vmem>> -> memref<128xi32, #tpu.memory_space<vmem>>
        %dma_start3A_258 = arith.constant 0 : i32
        %dma_start3A_259 = tpu.memref_slice %arg3[%add3A, %add3A_253, %dma_start3A_258] : memref<32x80x128xi32, #tpu.memory_space<hbm>> -> memref<1x1x128xi32, #tpu.memory_space<hbm>>
        %dma_start3A_260 = tpu.memref_squeeze %dma_start3A_259 : memref<1x1x128xi32, #tpu.memory_space<hbm>> -> memref<128xi32, #tpu.memory_space<hbm>>
        %dma_start3A_261 = arith.constant 0 : i32
        %dma_start3A_262 = tpu.memref_slice %arg6[%dma_start3A_254, %dma_start3A_261] : memref<2x128xi32, #tpu.memory_space<vmem>> -> memref<1x128xi32, #tpu.memory_space<vmem>>
        %dma_start3A_263 = tpu.memref_squeeze %dma_start3A_262 : memref<1x128xi32, #tpu.memory_space<vmem>> -> memref<128xi32, #tpu.memory_space<vmem>>
        %dma_start3A_264 = arith.constant 0 : i32
        %dma_start3A_265 = tpu.memref_slice %arg3[%add3A, %add3A_253, %dma_start3A_264] : memref<32x80x128xi32, #tpu.memory_space<hbm>> -> memref<1x1x128xi32, #tpu.memory_space<hbm>>
        %dma_start3A_266 = tpu.memref_squeeze %dma_start3A_265 : memref<1x1x128xi32, #tpu.memory_space<hbm>> -> memref<128xi32, #tpu.memory_space<hbm>>
        tpu.enqueue_dma source(%dma_start3A_266 : memref<128xi32, #tpu.memory_space<hbm>>) target(%dma_start3A_263 : memref<128xi32, #tpu.memory_space<vmem>>) target_semaphore(%arg10 : memref<!tpu.dma_semaphore, #tpu.memory_space<semaphore_mem>>)
      } else {
      }
      %dma_wait3A_194 = arith.constant 1 : i32
      %dma_wait3A_195 = arith.constant 1 : i32
      %dma_wait3A_196 = arith.constant 0 : i32
      %dma_wait3A_197 = arith.constant 0 : i32
      %dma_wait3A_198 = tpu.memref_slice %arg8[%dma_wait3A_195, %dma_wait3A_196, %dma_wait3A_197] : memref<2x128x128xf32, #tpu.memory_space<vmem>> -> memref<1x128x128xf32, #tpu.memory_space<vmem>>
      %dma_wait3A_199 = tpu.memref_squeeze %dma_wait3A_198 : memref<1x128x128xf32, #tpu.memory_space<vmem>> -> memref<128x128xf32, #tpu.memory_space<vmem>>
      %dma_wait3A_200 = arith.constant 0 : i32
      %dma_wait3A_201 = tpu.memref_slice %arg6[%dma_wait3A_194, %dma_wait3A_200] : memref<2x128xi32, #tpu.memory_space<vmem>> -> memref<1x128xi32, #tpu.memory_space<vmem>>
      %dma_wait3A_202 = tpu.memref_squeeze %dma_wait3A_201 : memref<1x128xi32, #tpu.memory_space<vmem>> -> memref<128xi32, #tpu.memory_space<vmem>>
      %dma_wait3A_203 = arith.constant 0 : i32
      %dma_wait3A_204 = arith.constant 0 : i32
      %dma_wait3A_205 = tpu.memref_slice %arg2[%dma_wait3A_203, %dma_wait3A_204] : memref<10000x128xf32, #tpu.memory_space<hbm>> -> memref<10000x128xf32, #tpu.memory_space<hbm>>
      tpu.wait_indirect_dma semaphore(%arg15 : memref<!tpu.dma_semaphore, #tpu.memory_space<semaphore_mem>>) src(%dma_wait3A_205 : memref<10000x128xf32, #tpu.memory_space<hbm>>) dst(%dma_wait3A_199 : memref<128x128xf32, #tpu.memory_space<vmem>>)
      %dma_wait3A_206 = arith.constant 0 : i32
      %dma_wait3A_207 = arith.constant 0 : i32
      %dma_wait3A_208 = arith.constant 0 : i32
      %dma_wait3A_209 = arith.constant 0 : i32
      %dma_wait3A_210 = tpu.memref_slice %arg8[%dma_wait3A_206, %dma_wait3A_208, %dma_wait3A_209] : memref<2x128x128xf32, #tpu.memory_space<vmem>> -> memref<1x128x128xf32, #tpu.memory_space<vmem>>
      %dma_wait3A_211 = tpu.memref_squeeze %dma_wait3A_210 : memref<1x128x128xf32, #tpu.memory_space<vmem>> -> memref<128x128xf32, #tpu.memory_space<vmem>>
      %dma_wait3A_212 = arith.constant 0 : i32
      %dma_wait3A_213 = tpu.memref_slice %arg7[%dma_wait3A_207, %dma_wait3A_212] : memref<2x128xi32, #tpu.memory_space<vmem>> -> memref<1x128xi32, #tpu.memory_space<vmem>>
      %dma_wait3A_214 = tpu.memref_squeeze %dma_wait3A_213 : memref<1x128xi32, #tpu.memory_space<vmem>> -> memref<128xi32, #tpu.memory_space<vmem>>
      %dma_wait3A_215 = arith.constant 0 : i32
      %dma_wait3A_216 = arith.constant 0 : i32
      %dma_wait3A_217 = tpu.memref_slice %arg9[%dma_wait3A_215, %dma_wait3A_216] : memref<10240x128xf32, #tpu.memory_space<vmem_shared>> -> memref<10240x128xf32, #tpu.memory_space<vmem_shared>>
      tpu.wait_indirect_dma semaphore(%arg16 : memref<!tpu.dma_semaphore, #tpu.memory_space<semaphore_mem>>) src(%dma_wait3A_211 : memref<128x128xf32, #tpu.memory_space<vmem>>) dst(%dma_wait3A_217 : memref<10240x128xf32, #tpu.memory_space<vmem_shared>>)
      %convert_element_type3A_218 = arith.extui %lt3A_124 : i1 to i32
      %cond3A_219 = arith.constant 0 : i32
      %cond3A_220 = arith.cmpi ne, %convert_element_type3A_218, %cond3A_219 : i32
      scf.if %cond3A_220 {
        %add3A_252 = arith.constant 2 : i32
        %add3A_253 = arith.addi %mul3A_121, %add3A_252 : i32
        %dma_start3A_254 = arith.constant 0 : i32
        %dma_start3A_255 = arith.constant 0 : i32
        %dma_start3A_256 = tpu.memref_slice %arg7[%dma_start3A_254, %dma_start3A_255] : memref<2x128xi32, #tpu.memory_space<vmem>> -> memref<1x128xi32, #tpu.memory_space<vmem>>
        %dma_start3A_257 = tpu.memref_squeeze %dma_start3A_256 : memref<1x128xi32, #tpu.memory_space<vmem>> -> memref<128xi32, #tpu.memory_space<vmem>>
        %dma_start3A_258 = arith.constant 0 : i32
        %dma_start3A_259 = tpu.memref_slice %arg4[%add3A, %add3A_253, %dma_start3A_258] : memref<32x80x128xi32, #tpu.memory_space<hbm>> -> memref<1x1x128xi32, #tpu.memory_space<hbm>>
        %dma_start3A_260 = tpu.memref_squeeze %dma_start3A_259 : memref<1x1x128xi32, #tpu.memory_space<hbm>> -> memref<128xi32, #tpu.memory_space<hbm>>
        %dma_start3A_261 = arith.constant 0 : i32
        %dma_start3A_262 = tpu.memref_slice %arg7[%dma_start3A_254, %dma_start3A_261] : memref<2x128xi32, #tpu.memory_space<vmem>> -> memref<1x128xi32, #tpu.memory_space<vmem>>
        %dma_start3A_263 = tpu.memref_squeeze %dma_start3A_262 : memref<1x128xi32, #tpu.memory_space<vmem>> -> memref<128xi32, #tpu.memory_space<vmem>>
        %dma_start3A_264 = arith.constant 0 : i32
        %dma_start3A_265 = tpu.memref_slice %arg4[%add3A, %add3A_253, %dma_start3A_264] : memref<32x80x128xi32, #tpu.memory_space<hbm>> -> memref<1x1x128xi32, #tpu.memory_space<hbm>>
        %dma_start3A_266 = tpu.memref_squeeze %dma_start3A_265 : memref<1x1x128xi32, #tpu.memory_space<hbm>> -> memref<128xi32, #tpu.memory_space<hbm>>
        tpu.enqueue_dma source(%dma_start3A_266 : memref<128xi32, #tpu.memory_space<hbm>>) target(%dma_start3A_263 : memref<128xi32, #tpu.memory_space<vmem>>) target_semaphore(%arg12 : memref<!tpu.dma_semaphore, #tpu.memory_space<semaphore_mem>>)
        %add3A_267 = arith.constant 2 : i32
        %add3A_268 = arith.addi %mul3A_121, %add3A_267 : i32
        %dma_wait3A_269 = arith.constant 0 : i32
        %dma_wait3A_270 = arith.constant 0 : i32
        %dma_wait3A_271 = tpu.memref_slice %arg6[%dma_wait3A_269, %dma_wait3A_270] : memref<2x128xi32, #tpu.memory_space<vmem>> -> memref<1x128xi32, #tpu.memory_space<vmem>>
        %dma_wait3A_272 = tpu.memref_squeeze %dma_wait3A_271 : memref<1x128xi32, #tpu.memory_space<vmem>> -> memref<128xi32, #tpu.memory_space<vmem>>
        %dma_wait3A_273 = arith.constant 0 : i32
        %dma_wait3A_274 = tpu.memref_slice %arg3[%add3A, %add3A_268, %dma_wait3A_273] : memref<32x80x128xi32, #tpu.memory_space<hbm>> -> memref<1x1x128xi32, #tpu.memory_space<hbm>>
        %dma_wait3A_275 = tpu.memref_squeeze %dma_wait3A_274 : memref<1x1x128xi32, #tpu.memory_space<hbm>> -> memref<128xi32, #tpu.memory_space<hbm>>
        %dma_wait3A_276 = arith.constant 0 : i32
        %dma_wait3A_277 = tpu.memref_slice %arg6[%dma_wait3A_269, %dma_wait3A_276] : memref<2x128xi32, #tpu.memory_space<vmem>> -> memref<1x128xi32, #tpu.memory_space<vmem>>
        %dma_wait3A_278 = tpu.memref_squeeze %dma_wait3A_277 : memref<1x128xi32, #tpu.memory_space<vmem>> -> memref<128xi32, #tpu.memory_space<vmem>>
        %dma_wait3A_279 = arith.constant 0 : i32
        %dma_wait3A_280 = tpu.memref_slice %arg3[%add3A, %add3A_268, %dma_wait3A_279] : memref<32x80x128xi32, #tpu.memory_space<hbm>> -> memref<1x1x128xi32, #tpu.memory_space<hbm>>
        %dma_wait3A_281 = tpu.memref_squeeze %dma_wait3A_280 : memref<1x1x128xi32, #tpu.memory_space<hbm>> -> memref<128xi32, #tpu.memory_space<hbm>>
        tpu.wait_dma2 semaphore(%arg10 : memref<!tpu.dma_semaphore, #tpu.memory_space<semaphore_mem>>) src(%dma_wait3A_281 : memref<128xi32, #tpu.memory_space<hbm>>) dst(%dma_wait3A_278 : memref<128xi32, #tpu.memory_space<vmem>>)
        %dma_start3A_282 = arith.constant 0 : i32
        %dma_start3A_283 = arith.constant 0 : i32
        %dma_start3A_284 = arith.constant 0 : i32
        %dma_start3A_285 = arith.constant 0 : i32
        %dma_start3A_286 = tpu.memref_slice %arg8[%dma_start3A_283, %dma_start3A_284, %dma_start3A_285] : memref<2x128x128xf32, #tpu.memory_space<vmem>> -> memref<1x128x128xf32, #tpu.memory_space<vmem>>
        %dma_start3A_287 = tpu.memref_squeeze %dma_start3A_286 : memref<1x128x128xf32, #tpu.memory_space<vmem>> -> memref<128x128xf32, #tpu.memory_space<vmem>>
        %dma_start3A_288 = arith.constant 0 : i32
        %dma_start3A_289 = tpu.memref_slice %arg6[%dma_start3A_282, %dma_start3A_288] : memref<2x128xi32, #tpu.memory_space<vmem>> -> memref<1x128xi32, #tpu.memory_space<vmem>>
        %dma_start3A_290 = tpu.memref_squeeze %dma_start3A_289 : memref<1x128xi32, #tpu.memory_space<vmem>> -> memref<128xi32, #tpu.memory_space<vmem>>
        %dma_start3A_291 = arith.constant 0 : i32
        %dma_start3A_292 = arith.constant 0 : i32
        %dma_start3A_293 = tpu.memref_slice %arg2[%dma_start3A_291, %dma_start3A_292] : memref<10000x128xf32, #tpu.memory_space<hbm>> -> memref<10000x128xf32, #tpu.memory_space<hbm>>
        tpu.enqueue_indirect_dma source(%dma_start3A_293 : memref<10000x128xf32, #tpu.memory_space<hbm>>) target(%dma_start3A_287 : memref<128x128xf32, #tpu.memory_space<vmem>>) offsets(%dma_start3A_290 : memref<128xi32, #tpu.memory_space<vmem>>) semaphore(%arg14 : memref<!tpu.dma_semaphore, #tpu.memory_space<semaphore_mem>>)
      } else {
      }
      %add3A_221 = arith.constant 1 : i32
      %add3A_222 = arith.addi %mul3A_121, %add3A_221 : i32
      %dma_wait3A_223 = arith.constant 1 : i32
      %dma_wait3A_224 = arith.constant 0 : i32
      %dma_wait3A_225 = tpu.memref_slice %arg7[%dma_wait3A_223, %dma_wait3A_224] : memref<2x128xi32, #tpu.memory_space<vmem>> -> memref<1x128xi32, #tpu.memory_space<vmem>>
      %dma_wait3A_226 = tpu.memref_squeeze %dma_wait3A_225 : memref<1x128xi32, #tpu.memory_space<vmem>> -> memref<128xi32, #tpu.memory_space<vmem>>
      %dma_wait3A_227 = arith.constant 0 : i32
      %dma_wait3A_228 = tpu.memref_slice %arg4[%add3A, %add3A_222, %dma_wait3A_227] : memref<32x80x128xi32, #tpu.memory_space<hbm>> -> memref<1x1x128xi32, #tpu.memory_space<hbm>>
      %dma_wait3A_229 = tpu.memref_squeeze %dma_wait3A_228 : memref<1x1x128xi32, #tpu.memory_space<hbm>> -> memref<128xi32, #tpu.memory_space<hbm>>
      %dma_wait3A_230 = arith.constant 0 : i32
      %dma_wait3A_231 = tpu.memref_slice %arg7[%dma_wait3A_223, %dma_wait3A_230] : memref<2x128xi32, #tpu.memory_space<vmem>> -> memref<1x128xi32, #tpu.memory_space<vmem>>
      %dma_wait3A_232 = tpu.memref_squeeze %dma_wait3A_231 : memref<1x128xi32, #tpu.memory_space<vmem>> -> memref<128xi32, #tpu.memory_space<vmem>>
      %dma_wait3A_233 = arith.constant 0 : i32
      %dma_wait3A_234 = tpu.memref_slice %arg4[%add3A, %add3A_222, %dma_wait3A_233] : memref<32x80x128xi32, #tpu.memory_space<hbm>> -> memref<1x1x128xi32, #tpu.memory_space<hbm>>
      %dma_wait3A_235 = tpu.memref_squeeze %dma_wait3A_234 : memref<1x1x128xi32, #tpu.memory_space<hbm>> -> memref<128xi32, #tpu.memory_space<hbm>>
      tpu.wait_dma2 semaphore(%arg13 : memref<!tpu.dma_semaphore, #tpu.memory_space<semaphore_mem>>) src(%dma_wait3A_235 : memref<128xi32, #tpu.memory_space<hbm>>) dst(%dma_wait3A_232 : memref<128xi32, #tpu.memory_space<vmem>>)
      %dma_start3A_236 = arith.constant 1 : i32
      %dma_start3A_237 = arith.constant 1 : i32
      %dma_start3A_238 = arith.constant 0 : i32
      %dma_start3A_239 = arith.constant 0 : i32
      %dma_start3A_240 = tpu.memref_slice %arg8[%dma_start3A_236, %dma_start3A_238, %dma_start3A_239] : memref<2x128x128xf32, #tpu.memory_space<vmem>> -> memref<1x128x128xf32, #tpu.memory_space<vmem>>
      %dma_start3A_241 = tpu.memref_squeeze %dma_start3A_240 : memref<1x128x128xf32, #tpu.memory_space<vmem>> -> memref<128x128xf32, #tpu.memory_space<vmem>>
      %dma_start3A_242 = arith.constant 0 : i32
      %dma_start3A_243 = tpu.memref_slice %arg7[%dma_start3A_237, %dma_start3A_242] : memref<2x128xi32, #tpu.memory_space<vmem>> -> memref<1x128xi32, #tpu.memory_space<vmem>>
      %dma_start3A_244 = tpu.memref_squeeze %dma_start3A_243 : memref<1x128xi32, #tpu.memory_space<vmem>> -> memref<128xi32, #tpu.memory_space<vmem>>
      %dma_start3A_245 = arith.constant 0 : i32
      %dma_start3A_246 = arith.constant 0 : i32
      %dma_start3A_247 = tpu.memref_slice %arg9[%dma_start3A_245, %dma_start3A_246] : memref<10240x128xf32, #tpu.memory_space<vmem_shared>> -> memref<10240x128xf32, #tpu.memory_space<vmem_shared>>
      tpu.enqueue_indirect_dma source(%dma_start3A_241 : memref<128x128xf32, #tpu.memory_space<vmem>>) target(%dma_start3A_247 : memref<10240x128xf32, #tpu.memory_space<vmem_shared>>) offsets(%dma_start3A_244 : memref<128xi32, #tpu.memory_space<vmem>>) semaphore(%arg17 : memref<!tpu.dma_semaphore, #tpu.memory_space<semaphore_mem>>) {add = true}
      %convert_element_type3A_248 = arith.extui %lt3A_124 : i1 to i32
      %cond3A_249 = arith.constant 0 : i32
      %cond3A_250 = arith.cmpi ne, %convert_element_type3A_248, %cond3A_249 : i32
      scf.if %cond3A_250 {
        %add3A_252 = arith.constant 3 : i32
        %add3A_253 = arith.addi %mul3A_121, %add3A_252 : i32
        %dma_start3A_254 = arith.constant 1 : i32
        %dma_start3A_255 = arith.constant 0 : i32
        %dma_start3A_256 = tpu.memref_slice %arg6[%dma_start3A_254, %dma_start3A_255] : memref<2x128xi32, #tpu.memory_space<vmem>> -> memref<1x128xi32, #tpu.memory_space<vmem>>
        %dma_start3A_257 = tpu.memref_squeeze %dma_start3A_256 : memref<1x128xi32, #tpu.memory_space<vmem>> -> memref<128xi32, #tpu.memory_space<vmem>>
        %dma_start3A_258 = arith.constant 0 : i32
        %dma_start3A_259 = tpu.memref_slice %arg3[%add3A, %add3A_253, %dma_start3A_258] : memref<32x80x128xi32, #tpu.memory_space<hbm>> -> memref<1x1x128xi32, #tpu.memory_space<hbm>>
        %dma_start3A_260 = tpu.memref_squeeze %dma_start3A_259 : memref<1x1x128xi32, #tpu.memory_space<hbm>> -> memref<128xi32, #tpu.memory_space<hbm>>
        %dma_start3A_261 = arith.constant 0 : i32
        %dma_start3A_262 = tpu.memref_slice %arg6[%dma_start3A_254, %dma_start3A_261] : memref<2x128xi32, #tpu.memory_space<vmem>> -> memref<1x128xi32, #tpu.memory_space<vmem>>
        %dma_start3A_263 = tpu.memref_squeeze %dma_start3A_262 : memref<1x128xi32, #tpu.memory_space<vmem>> -> memref<128xi32, #tpu.memory_space<vmem>>
        %dma_start3A_264 = arith.constant 0 : i32
        %dma_start3A_265 = tpu.memref_slice %arg3[%add3A, %add3A_253, %dma_start3A_264] : memref<32x80x128xi32, #tpu.memory_space<hbm>> -> memref<1x1x128xi32, #tpu.memory_space<hbm>>
        %dma_start3A_266 = tpu.memref_squeeze %dma_start3A_265 : memref<1x1x128xi32, #tpu.memory_space<hbm>> -> memref<128xi32, #tpu.memory_space<hbm>>
        tpu.enqueue_dma source(%dma_start3A_266 : memref<128xi32, #tpu.memory_space<hbm>>) target(%dma_start3A_263 : memref<128xi32, #tpu.memory_space<vmem>>) target_semaphore(%arg11 : memref<!tpu.dma_semaphore, #tpu.memory_space<semaphore_mem>>)
      } else {
      }
      %scan3A_251 = arith.constant 0 : i32
      scf.yield %scan3A_251 : i32
    }
    %scan3A_100 = arith.constant 40 : i32
    %dma_wait3A_101 = arith.constant 1 : i32
    %dma_wait3A_102 = arith.constant 1 : i32
    %dma_wait3A_103 = arith.constant 0 : i32
    %dma_wait3A_104 = arith.constant 0 : i32
    %dma_wait3A_105 = tpu.memref_slice %arg8[%dma_wait3A_101, %dma_wait3A_103, %dma_wait3A_104] : memref<2x128x128xf32, #tpu.memory_space<vmem>> -> memref<1x128x128xf32, #tpu.memory_space<vmem>>
    %dma_wait3A_106 = tpu.memref_squeeze %dma_wait3A_105 : memref<1x128x128xf32, #tpu.memory_space<vmem>> -> memref<128x128xf32, #tpu.memory_space<vmem>>
    %dma_wait3A_107 = arith.constant 0 : i32
    %dma_wait3A_108 = tpu.memref_slice %arg7[%dma_wait3A_102, %dma_wait3A_107] : memref<2x128xi32, #tpu.memory_space<vmem>> -> memref<1x128xi32, #tpu.memory_space<vmem>>
    %dma_wait3A_109 = tpu.memref_squeeze %dma_wait3A_108 : memref<1x128xi32, #tpu.memory_space<vmem>> -> memref<128xi32, #tpu.memory_space<vmem>>
    %dma_wait3A_110 = arith.constant 0 : i32
    %dma_wait3A_111 = arith.constant 0 : i32
    %dma_wait3A_112 = tpu.memref_slice %arg9[%dma_wait3A_110, %dma_wait3A_111] : memref<10240x128xf32, #tpu.memory_space<vmem_shared>> -> memref<10240x128xf32, #tpu.memory_space<vmem_shared>>
    tpu.wait_indirect_dma semaphore(%arg17 : memref<!tpu.dma_semaphore, #tpu.memory_space<semaphore_mem>>) src(%dma_wait3A_106 : memref<128x128xf32, #tpu.memory_space<vmem>>) dst(%dma_wait3A_112 : memref<10240x128xf32, #tpu.memory_space<vmem_shared>>)
    %barrier3A_113 = arith.constant 0 : index
    tpu.barrier barrier_id(%barrier3A_113)
    %mul3A_114 = arith.constant 640 : i32
    %mul3A_115 = arith.muli %arg1, %mul3A_114 : i32
    %mul3A_116 = arith.constant 640 : i32
    %mul3A_117 = arith.muli %arg1, %mul3A_116 : i32
    "tpu.region"() ({
      %run_scoped3A = tpu.sem_alloc : memref<!tpu.dma_semaphore, #tpu.memory_space<semaphore_mem>>
      %dma_start3A_118 = arith.constant 0 : i32
      %dma_start3A_119 = tpu.memref_slice %arg5[%arg0, %mul3A_117, %dma_start3A_118] : memref<2x10240x128xf32, #tpu.memory_space<hbm>> -> memref<1x640x128xf32, #tpu.memory_space<hbm>>
      %dma_start3A_120 = tpu.memref_squeeze %dma_start3A_119 : memref<1x640x128xf32, #tpu.memory_space<hbm>> -> memref<640x128xf32, #tpu.memory_space<hbm>>
      %dma_start3A_121 = arith.constant 0 : i32
      %dma_start3A_122 = tpu.memref_slice %arg9[%mul3A_115, %dma_start3A_121] : memref<10240x128xf32, #tpu.memory_space<vmem_shared>> -> memref<640x128xf32, #tpu.memory_space<vmem_shared>>
      tpu.enqueue_dma source(%dma_start3A_122 : memref<640x128xf32, #tpu.memory_space<vmem_shared>>) target(%dma_start3A_120 : memref<640x128xf32, #tpu.memory_space<hbm>>) target_semaphore(%run_scoped3A : memref<!tpu.dma_semaphore, #tpu.memory_space<semaphore_mem>>)
      %dma_wait3A_123 = arith.constant 0 : i32
      %dma_wait3A_124 = tpu.memref_slice %arg5[%arg0, %mul3A_117, %dma_wait3A_123] : memref<2x10240x128xf32, #tpu.memory_space<hbm>> -> memref<1x640x128xf32, #tpu.memory_space<hbm>>
      %dma_wait3A_125 = tpu.memref_squeeze %dma_wait3A_124 : memref<1x640x128xf32, #tpu.memory_space<hbm>> -> memref<640x128xf32, #tpu.memory_space<hbm>>
      %dma_wait3A_126 = arith.constant 0 : i32
      %dma_wait3A_127 = tpu.memref_slice %arg9[%mul3A_115, %dma_wait3A_126] : memref<10240x128xf32, #tpu.memory_space<vmem_shared>> -> memref<640x128xf32, #tpu.memory_space<vmem_shared>>
      tpu.wait_dma2 semaphore(%run_scoped3A : memref<!tpu.dma_semaphore, #tpu.memory_space<semaphore_mem>>) src(%dma_wait3A_127 : memref<640x128xf32, #tpu.memory_space<vmem_shared>>) dst(%dma_wait3A_125 : memref<640x128xf32, #tpu.memory_space<hbm>>)
      tpu.yield
    }) : () -> ()
    return
  }
}

#map = affine_map<(d0, d1) -> (0, 0, 0)>
#map1 = affine_map<(d0, d1) -> (0, 0)>
module attributes {stable_mosaic.version = 14 : i64} {
  func.func @_deg_body(%arg0: i32, %arg1: i32, %arg2: memref<32x80x128xi32, #tpu.memory_space<hbm>>, %arg3: memref<2x10240xf32, #tpu.memory_space<hbm>>, %arg4: memref<80x128xi32, #tpu.memory_space<vmem>>, %arg5: memref<128xf32, #tpu.memory_space<vmem>>, %arg6: memref<640xf32, #tpu.memory_space<vmem>>, %arg7: memref<10240xf32, #tpu.memory_space<vmem_shared>>) attributes {dimension_semantics = [#tpu.dimension_semantics<core_parallel>, #tpu.dimension_semantics<subcore_parallel>], iteration_bounds = array<i64: 2, 16>, scalar_prefetch = 0 : i64, scratch_operands = 4 : i64, tpu.core_type = #tpu.core_type<sc_vector_subcore>, window_params = [{transform_indices = #map}, {transform_indices = #map1}]} {
    %mul3A = arith.constant 16 : i32
    %mul3A_0 = arith.muli %arg0, %mul3A : i32
    %add3A = arith.addi %mul3A_0, %arg1 : i32
    %scan3A = arith.constant 0 : i32
    %scan3A_1 = arith.constant 0 : i32
    %scan3A_2 = arith.constant 40 : i32
    %scan3A_3 = arith.addi %scan3A_1, %scan3A_2 : i32
    %scan3A_4 = arith.constant 1 : i32
    %scan3A_5 = scf.for %scan3A_28 = %scan3A_1 to %scan3A_3 step %scan3A_4 iter_args(%scan3A_29 = %scan3A) -> (i32)  : i32 {
      %broadcast_in_dim3A = arith.constant 0.000000e+00 : f32
      %broadcast_in_dim3A_30 = vector.broadcast %broadcast_in_dim3A : f32 to vector<16xf32>
      %mul3A_31 = arith.constant 16 : i32
      %mul3A_32 = arith.muli %scan3A_28, %mul3A_31 : i32
      %swap3A = arith.index_cast %mul3A_32 : i32 to index
      %swap3A_33 = tpu.vector_load %arg6[%swap3A] {strides = array<i32>} : memref<640xf32, #tpu.memory_space<vmem>>, vector<16xf32>,
      %swap3A_34 = vector.shape_cast %swap3A_33 : vector<16xf32> to vector<16xf32>
      %swap3A_35 = vector.shape_cast %broadcast_in_dim3A_30 : vector<16xf32> to vector<16xf32>
      tpu.vector_store %arg6[%swap3A], %swap3A_35 {strides = array<i32>} : memref<640xf32, #tpu.memory_space<vmem>>, vector<16xf32>,
      %scan3A_36 = arith.constant 0 : i32
      scf.yield %scan3A_36 : i32
    }
    %scan3A_6 = arith.constant 40 : i32
    %scan3A_7 = arith.constant 0 : i32
    %scan3A_8 = arith.constant 0 : i32
    %scan3A_9 = arith.constant 8 : i32
    %scan3A_10 = arith.addi %scan3A_8, %scan3A_9 : i32
    %scan3A_11 = arith.constant 1 : i32
    %scan3A_12 = scf.for %scan3A_28 = %scan3A_8 to %scan3A_10 step %scan3A_11 iter_args(%scan3A_29 = %scan3A_7) -> (i32)  : i32 {
      %broadcast_in_dim3A = arith.constant 1.000000e+00 : f32
      %broadcast_in_dim3A_30 = vector.broadcast %broadcast_in_dim3A : f32 to vector<16xf32>
      %mul3A_31 = arith.constant 16 : i32
      %mul3A_32 = arith.muli %scan3A_28, %mul3A_31 : i32
      %swap3A = arith.index_cast %mul3A_32 : i32 to index
      %swap3A_33 = tpu.vector_load %arg5[%swap3A] {strides = array<i32>} : memref<128xf32, #tpu.memory_space<vmem>>, vector<16xf32>,
      %swap3A_34 = vector.shape_cast %swap3A_33 : vector<16xf32> to vector<16xf32>
      %swap3A_35 = vector.shape_cast %broadcast_in_dim3A_30 : vector<16xf32> to vector<16xf32>
      tpu.vector_store %arg5[%swap3A], %swap3A_35 {strides = array<i32>} : memref<128xf32, #tpu.memory_space<vmem>>, vector<16xf32>,
      %scan3A_36 = arith.constant 0 : i32
      scf.yield %scan3A_36 : i32
    }
    %scan3A_13 = arith.constant 8 : i32
    %mul3A_14 = arith.constant 640 : i32
    %mul3A_15 = arith.muli %arg1, %mul3A_14 : i32
    "tpu.region"() ({
      %run_scoped3A = tpu.sem_alloc : memref<!tpu.dma_semaphore, #tpu.memory_space<semaphore_mem>>
      %dma_start3A = tpu.memref_slice %arg7[%mul3A_15] : memref<10240xf32, #tpu.memory_space<vmem_shared>> -> memref<640xf32, #tpu.memory_space<vmem_shared>>
      %dma_start3A_28 = tpu.memref_slice %arg7[%mul3A_15] : memref<10240xf32, #tpu.memory_space<vmem_shared>> -> memref<640xf32, #tpu.memory_space<vmem_shared>>
      tpu.enqueue_dma source(%arg6 : memref<640xf32, #tpu.memory_space<vmem>>) target(%dma_start3A_28 : memref<640xf32, #tpu.memory_space<vmem_shared>>) target_semaphore(%run_scoped3A : memref<!tpu.dma_semaphore, #tpu.memory_space<semaphore_mem>>)
      %dma_wait3A = tpu.memref_slice %arg7[%mul3A_15] : memref<10240xf32, #tpu.memory_space<vmem_shared>> -> memref<640xf32, #tpu.memory_space<vmem_shared>>
      %dma_wait3A_29 = tpu.memref_slice %arg7[%mul3A_15] : memref<10240xf32, #tpu.memory_space<vmem_shared>> -> memref<640xf32, #tpu.memory_space<vmem_shared>>
      tpu.wait_dma2 semaphore(%run_scoped3A : memref<!tpu.dma_semaphore, #tpu.memory_space<semaphore_mem>>) src(%arg6 : memref<640xf32, #tpu.memory_space<vmem>>) dst(%dma_wait3A_29 : memref<640xf32, #tpu.memory_space<vmem_shared>>)
      tpu.yield
    }) : () -> ()
    "tpu.region"() ({
      %run_scoped3A = tpu.sem_alloc : memref<!tpu.dma_semaphore, #tpu.memory_space<semaphore_mem>>
      %dma_start3A = arith.constant 0 : i32
      %dma_start3A_28 = arith.constant 0 : i32
      %dma_start3A_29 = tpu.memref_slice %arg2[%add3A, %dma_start3A, %dma_start3A_28] : memref<32x80x128xi32, #tpu.memory_space<hbm>> -> memref<1x80x128xi32, #tpu.memory_space<hbm>>
      %dma_start3A_30 = tpu.memref_squeeze %dma_start3A_29 : memref<1x80x128xi32, #tpu.memory_space<hbm>> -> memref<80x128xi32, #tpu.memory_space<hbm>>
      %dma_start3A_31 = arith.constant 0 : i32
      %dma_start3A_32 = arith.constant 0 : i32
      %dma_start3A_33 = tpu.memref_slice %arg2[%add3A, %dma_start3A_31, %dma_start3A_32] : memref<32x80x128xi32, #tpu.memory_space<hbm>> -> memref<1x80x128xi32, #tpu.memory_space<hbm>>
      %dma_start3A_34 = tpu.memref_squeeze %dma_start3A_33 : memref<1x80x128xi32, #tpu.memory_space<hbm>> -> memref<80x128xi32, #tpu.memory_space<hbm>>
      tpu.enqueue_dma source(%dma_start3A_34 : memref<80x128xi32, #tpu.memory_space<hbm>>) target(%arg4 : memref<80x128xi32, #tpu.memory_space<vmem>>) target_semaphore(%run_scoped3A : memref<!tpu.dma_semaphore, #tpu.memory_space<semaphore_mem>>)
      %dma_wait3A = arith.constant 0 : i32
      %dma_wait3A_35 = arith.constant 0 : i32
      %dma_wait3A_36 = tpu.memref_slice %arg2[%add3A, %dma_wait3A, %dma_wait3A_35] : memref<32x80x128xi32, #tpu.memory_space<hbm>> -> memref<1x80x128xi32, #tpu.memory_space<hbm>>
      %dma_wait3A_37 = tpu.memref_squeeze %dma_wait3A_36 : memref<1x80x128xi32, #tpu.memory_space<hbm>> -> memref<80x128xi32, #tpu.memory_space<hbm>>
      %dma_wait3A_38 = arith.constant 0 : i32
      %dma_wait3A_39 = arith.constant 0 : i32
      %dma_wait3A_40 = tpu.memref_slice %arg2[%add3A, %dma_wait3A_38, %dma_wait3A_39] : memref<32x80x128xi32, #tpu.memory_space<hbm>> -> memref<1x80x128xi32, #tpu.memory_space<hbm>>
      %dma_wait3A_41 = tpu.memref_squeeze %dma_wait3A_40 : memref<1x80x128xi32, #tpu.memory_space<hbm>> -> memref<80x128xi32, #tpu.memory_space<hbm>>
      tpu.wait_dma2 semaphore(%run_scoped3A : memref<!tpu.dma_semaphore, #tpu.memory_space<semaphore_mem>>) src(%dma_wait3A_41 : memref<80x128xi32, #tpu.memory_space<hbm>>) dst(%arg4 : memref<80x128xi32, #tpu.memory_space<vmem>>)
      tpu.yield
    }) : () -> ()
    %barrier3A = arith.constant 0 : index
    tpu.barrier barrier_id(%barrier3A)
    %scan3A_16 = arith.constant 0 : i32
    %scan3A_17 = arith.constant 0 : i32
    %scan3A_18 = arith.constant 80 : i32
    %scan3A_19 = arith.addi %scan3A_17, %scan3A_18 : i32
    %scan3A_20 = arith.constant 1 : i32
    %scan3A_21 = scf.for %scan3A_28 = %scan3A_17 to %scan3A_19 step %scan3A_20 iter_args(%scan3A_29 = %scan3A_16) -> (i32)  : i32 {
      "tpu.region"() ({
        %run_scoped3A = tpu.sem_alloc : memref<!tpu.dma_semaphore, #tpu.memory_space<semaphore_mem>>
        %dma_start3A = arith.constant 0 : i32
        %dma_start3A_31 = tpu.memref_slice %arg4[%scan3A_28, %dma_start3A] : memref<80x128xi32, #tpu.memory_space<vmem>> -> memref<1x128xi32, #tpu.memory_space<vmem>>
        %dma_start3A_32 = tpu.memref_squeeze %dma_start3A_31 : memref<1x128xi32, #tpu.memory_space<vmem>> -> memref<128xi32, #tpu.memory_space<vmem>>
        %dma_start3A_33 = arith.constant 0 : i32
        %dma_start3A_34 = tpu.memref_slice %arg7[%dma_start3A_33] : memref<10240xf32, #tpu.memory_space<vmem_shared>> -> memref<10240xf32, #tpu.memory_space<vmem_shared>>
        tpu.enqueue_indirect_dma source(%arg5 : memref<128xf32, #tpu.memory_space<vmem>>) target(%dma_start3A_34 : memref<10240xf32, #tpu.memory_space<vmem_shared>>) offsets(%dma_start3A_32 : memref<128xi32, #tpu.memory_space<vmem>>) semaphore(%run_scoped3A : memref<!tpu.dma_semaphore, #tpu.memory_space<semaphore_mem>>) {add = true}
        %dma_wait3A = arith.constant 0 : i32
        %dma_wait3A_35 = tpu.memref_slice %arg4[%scan3A_28, %dma_wait3A] : memref<80x128xi32, #tpu.memory_space<vmem>> -> memref<1x128xi32, #tpu.memory_space<vmem>>
        %dma_wait3A_36 = tpu.memref_squeeze %dma_wait3A_35 : memref<1x128xi32, #tpu.memory_space<vmem>> -> memref<128xi32, #tpu.memory_space<vmem>>
        %dma_wait3A_37 = arith.constant 0 : i32
        %dma_wait3A_38 = tpu.memref_slice %arg7[%dma_wait3A_37] : memref<10240xf32, #tpu.memory_space<vmem_shared>> -> memref<10240xf32, #tpu.memory_space<vmem_shared>>
        tpu.wait_indirect_dma semaphore(%run_scoped3A : memref<!tpu.dma_semaphore, #tpu.memory_space<semaphore_mem>>) src(%arg5 : memref<128xf32, #tpu.memory_space<vmem>>) dst(%dma_wait3A_38 : memref<10240xf32, #tpu.memory_space<vmem_shared>>)
        tpu.yield
      }) : () -> ()
      %scan3A_30 = arith.constant 0 : i32
      scf.yield %scan3A_30 : i32
    }
    %scan3A_22 = arith.constant 80 : i32
    %barrier3A_23 = arith.constant 0 : index
    tpu.barrier barrier_id(%barrier3A_23)
    %mul3A_24 = arith.constant 640 : i32
    %mul3A_25 = arith.muli %arg1, %mul3A_24 : i32
    %mul3A_26 = arith.constant 640 : i32
    %mul3A_27 = arith.muli %arg1, %mul3A_26 : i32
    "tpu.region"() ({
      %run_scoped3A = tpu.sem_alloc : memref<!tpu.dma_semaphore, #tpu.memory_space<semaphore_mem>>
      %dma_start3A = tpu.memref_slice %arg3[%arg0, %mul3A_27] : memref<2x10240xf32, #tpu.memory_space<hbm>> -> memref<1x640xf32, #tpu.memory_space<hbm>>
      %dma_start3A_28 = tpu.memref_squeeze %dma_start3A : memref<1x640xf32, #tpu.memory_space<hbm>> -> memref<640xf32, #tpu.memory_space<hbm>>
      %dma_start3A_29 = tpu.memref_slice %arg7[%mul3A_25] : memref<10240xf32, #tpu.memory_space<vmem_shared>> -> memref<640xf32, #tpu.memory_space<vmem_shared>>
      tpu.enqueue_dma source(%dma_start3A_29 : memref<640xf32, #tpu.memory_space<vmem_shared>>) target(%dma_start3A_28 : memref<640xf32, #tpu.memory_space<hbm>>) target_semaphore(%run_scoped3A : memref<!tpu.dma_semaphore, #tpu.memory_space<semaphore_mem>>)
      %dma_wait3A = tpu.memref_slice %arg3[%arg0, %mul3A_27] : memref<2x10240xf32, #tpu.memory_space<hbm>> -> memref<1x640xf32, #tpu.memory_space<hbm>>
      %dma_wait3A_30 = tpu.memref_squeeze %dma_wait3A : memref<1x640xf32, #tpu.memory_space<hbm>> -> memref<640xf32, #tpu.memory_space<hbm>>
      %dma_wait3A_31 = tpu.memref_slice %arg7[%mul3A_25] : memref<10240xf32, #tpu.memory_space<vmem_shared>> -> memref<640xf32, #tpu.memory_space<vmem_shared>>
      tpu.wait_dma2 semaphore(%run_scoped3A : memref<!tpu.dma_semaphore, #tpu.memory_space<semaphore_mem>>) src(%dma_wait3A_31 : memref<640xf32, #tpu.memory_space<vmem_shared>>) dst(%dma_wait3A_30 : memref<640xf32, #tpu.memory_space<hbm>>)
      tpu.yield
    }) : () -> ()
    return
  }
}

module attributes {stable_mosaic.version = 14 : i64} {
  func.func @_tc_pre_body(%arg0: memref<10000x128xf32, #tpu.memory_space<vmem>>, %arg1: memref<128x128xf32, #tpu.memory_space<vmem>>, %arg2: memref<2x10240x1xf32, #tpu.memory_space<vmem>>, %arg3: memref<10000x128xf32, #tpu.memory_space<vmem>>, %arg4: memref<10000x128xf32, #tpu.memory_space<vmem>>) attributes {dimension_semantics = [], scalar_prefetch = 0 : i64, scratch_operands = 0 : i64, tpu.core_type = #tpu.core_type<tc>} {
    %get3A = arith.constant 0 : index
    %get3A_0 = arith.constant 0 : index
    %get3A_1 = vector.load %arg0[%get3A, %get3A_0] : memref<10000x128xf32, #tpu.memory_space<vmem>>, vector<10000x128xf32>
    %get3A_2 = arith.constant 0 : index
    %get3A_3 = arith.constant 0 : index
    %get3A_4 = vector.load %arg1[%get3A_2, %get3A_3] : memref<128x128xf32, #tpu.memory_space<vmem>>, vector<128x128xf32>
    %dot_general3A = arith.constant dense<0.000000e+00> : vector<10000x128xf32>
    %dot_general3A_5 = tpu.matmul %get3A_1, %get3A_4, %dot_general3A {dimension_numbers = #tpu.dot_dimension_numbers<[1], [0], [0], [1], [0, 0, 1, 1], [], []>, transpose_lhs_hint = false} : vector<10000x128xf32>, vector<128x128xf32>, vector<10000x128xf32> -> vector<10000x128xf32>
    %get3A_6 = arith.constant 0 : index
    %get3A_7 = arith.constant 0 : index
    %get3A_8 = arith.constant 0 : index
    %get3A_9 = vector.load %arg2[%get3A_6, %get3A_7, %get3A_8] : memref<2x10240x1xf32, #tpu.memory_space<vmem>>, vector<1x10000x1xf32>
    %get3A_10 = vector.shape_cast %get3A_9 : vector<1x10000x1xf32> to vector<10000x1xf32>
    %get3A_11 = arith.constant 1 : index
    %get3A_12 = arith.constant 0 : index
    %get3A_13 = arith.constant 0 : index
    %get3A_14 = vector.load %arg2[%get3A_11, %get3A_12, %get3A_13] : memref<2x10240x1xf32, #tpu.memory_space<vmem>>, vector<1x10000x1xf32>
    %get3A_15 = vector.shape_cast %get3A_14 : vector<1x10000x1xf32> to vector<10000x1xf32>
    %add3A = arith.addf %get3A_10, %get3A_15 : vector<10000x1xf32>
    %add3A_16 = arith.constant 1.000000e+00 : f32
    %add3A_17 = vector.broadcast %add3A_16 : f32 to vector<10000x1xf32>
    %add3A_18 = arith.addf %add3A, %add3A_17 : vector<10000x1xf32>
    %rsqrt3A = math.rsqrt %add3A_18 : vector<10000x1xf32>
    %swap3A = arith.constant 0 : index
    %swap3A_19 = arith.constant 0 : index
    %swap3A_20 = vector.load %arg3[%swap3A, %swap3A_19] : memref<10000x128xf32, #tpu.memory_space<vmem>>, vector<10000x128xf32>
    tpu.vector_store %arg3[%swap3A, %swap3A_19], %dot_general3A_5 {strides = array<i32>} : memref<10000x128xf32, #tpu.memory_space<vmem>>, vector<10000x128xf32>,
    %mul3A = vector.broadcast %rsqrt3A : vector<10000x1xf32> to vector<10000x128xf32>
    %mul3A_21 = arith.mulf %dot_general3A_5, %mul3A : vector<10000x128xf32>
    %swap3A_22 = arith.constant 0 : index
    %swap3A_23 = arith.constant 0 : index
    %swap3A_24 = vector.load %arg4[%swap3A_22, %swap3A_23] : memref<10000x128xf32, #tpu.memory_space<vmem>>, vector<10000x128xf32>
    tpu.vector_store %arg4[%swap3A_22, %swap3A_23], %mul3A_21 {strides = array<i32>} : memref<10000x128xf32, #tpu.memory_space<vmem>>, vector<10000x128xf32>,
    return
  }
}

module attributes {stable_mosaic.version = 14 : i64} {
  func.func @_tc_mid_body(%arg0: memref<2x10240x128xf32, #tpu.memory_space<vmem>>, %arg1: memref<2x10240x1xf32, #tpu.memory_space<vmem>>, %arg2: memref<10000x128xf32, #tpu.memory_space<vmem>>, %arg3: memref<128x128xf32, #tpu.memory_space<vmem>>, %arg4: memref<1x128xf32, #tpu.memory_space<vmem>>, %arg5: memref<10000x128xf32, #tpu.memory_space<vmem>>, %arg6: memref<10000x128xf32, #tpu.memory_space<vmem>>) attributes {dimension_semantics = [], scalar_prefetch = 0 : i64, scratch_operands = 0 : i64, tpu.core_type = #tpu.core_type<tc>} {
    %get3A = arith.constant 0 : index
    %get3A_0 = arith.constant 0 : index
    %get3A_1 = arith.constant 0 : index
    %get3A_2 = vector.load %arg0[%get3A, %get3A_0, %get3A_1] : memref<2x10240x128xf32, #tpu.memory_space<vmem>>, vector<1x10000x128xf32>
    %get3A_3 = vector.shape_cast %get3A_2 : vector<1x10000x128xf32> to vector<10000x128xf32>
    %get3A_4 = arith.constant 1 : index
    %get3A_5 = arith.constant 0 : index
    %get3A_6 = arith.constant 0 : index
    %get3A_7 = vector.load %arg0[%get3A_4, %get3A_5, %get3A_6] : memref<2x10240x128xf32, #tpu.memory_space<vmem>>, vector<1x10000x128xf32>
    %get3A_8 = vector.shape_cast %get3A_7 : vector<1x10000x128xf32> to vector<10000x128xf32>
    %add3A = arith.addf %get3A_3, %get3A_8 : vector<10000x128xf32>
    %get3A_9 = arith.constant 0 : index
    %get3A_10 = arith.constant 0 : index
    %get3A_11 = arith.constant 0 : index
    %get3A_12 = vector.load %arg1[%get3A_9, %get3A_10, %get3A_11] : memref<2x10240x1xf32, #tpu.memory_space<vmem>>, vector<1x10000x1xf32>
    %get3A_13 = vector.shape_cast %get3A_12 : vector<1x10000x1xf32> to vector<10000x1xf32>
    %get3A_14 = arith.constant 1 : index
    %get3A_15 = arith.constant 0 : index
    %get3A_16 = arith.constant 0 : index
    %get3A_17 = vector.load %arg1[%get3A_14, %get3A_15, %get3A_16] : memref<2x10240x1xf32, #tpu.memory_space<vmem>>, vector<1x10000x1xf32>
    %get3A_18 = vector.shape_cast %get3A_17 : vector<1x10000x1xf32> to vector<10000x1xf32>
    %add3A_19 = arith.addf %get3A_13, %get3A_18 : vector<10000x1xf32>
    %add3A_20 = arith.constant 1.000000e+00 : f32
    %add3A_21 = vector.broadcast %add3A_20 : f32 to vector<10000x1xf32>
    %add3A_22 = arith.addf %add3A_19, %add3A_21 : vector<10000x1xf32>
    %rsqrt3A = math.rsqrt %add3A_22 : vector<10000x1xf32>
    %mul3A = vector.broadcast %rsqrt3A : vector<10000x1xf32> to vector<10000x128xf32>
    %mul3A_23 = arith.mulf %add3A, %mul3A : vector<10000x128xf32>
    %get3A_24 = arith.constant 0 : index
    %get3A_25 = arith.constant 0 : index
    %get3A_26 = vector.load %arg2[%get3A_24, %get3A_25] : memref<10000x128xf32, #tpu.memory_space<vmem>>, vector<10000x128xf32>
    %mul3A_27 = arith.mulf %rsqrt3A, %rsqrt3A : vector<10000x1xf32>
    %mul3A_28 = vector.broadcast %mul3A_27 : vector<10000x1xf32> to vector<10000x128xf32>
    %mul3A_29 = arith.mulf %get3A_26, %mul3A_28 : vector<10000x128xf32>
    %add3A_30 = arith.addf %mul3A_23, %mul3A_29 : vector<10000x128xf32>
    %get3A_31 = arith.constant 0 : index
    %get3A_32 = arith.constant 0 : index
    %get3A_33 = vector.load %arg4[%get3A_31, %get3A_32] : memref<1x128xf32, #tpu.memory_space<vmem>>, vector<1x128xf32>
    %add3A_34 = vector.broadcast %get3A_33 : vector<1x128xf32> to vector<10000x128xf32>
    %add3A_35 = arith.addf %add3A_30, %add3A_34 : vector<10000x128xf32>
    %max3A = arith.constant 0.000000e+00 : f32
    %max3A_36 = vector.broadcast %max3A : f32 to vector<10000x128xf32>
    %max3A_37 = arith.maximumf %add3A_35, %max3A_36 : vector<10000x128xf32>
    %get3A_38 = arith.constant 0 : index
    %get3A_39 = arith.constant 0 : index
    %get3A_40 = vector.load %arg3[%get3A_38, %get3A_39] : memref<128x128xf32, #tpu.memory_space<vmem>>, vector<128x128xf32>
    %dot_general3A = arith.constant dense<0.000000e+00> : vector<10000x128xf32>
    %dot_general3A_41 = tpu.matmul %max3A_37, %get3A_40, %dot_general3A {dimension_numbers = #tpu.dot_dimension_numbers<[1], [0], [0], [1], [0, 0, 1, 1], [], []>, transpose_lhs_hint = false} : vector<10000x128xf32>, vector<128x128xf32>, vector<10000x128xf32> -> vector<10000x128xf32>
    %swap3A = arith.constant 0 : index
    %swap3A_42 = arith.constant 0 : index
    %swap3A_43 = vector.load %arg5[%swap3A, %swap3A_42] : memref<10000x128xf32, #tpu.memory_space<vmem>>, vector<10000x128xf32>
    tpu.vector_store %arg5[%swap3A, %swap3A_42], %dot_general3A_41 {strides = array<i32>} : memref<10000x128xf32, #tpu.memory_space<vmem>>, vector<10000x128xf32>,
    %mul3A_44 = vector.broadcast %rsqrt3A : vector<10000x1xf32> to vector<10000x128xf32>
    %mul3A_45 = arith.mulf %dot_general3A_41, %mul3A_44 : vector<10000x128xf32>
    %swap3A_46 = arith.constant 0 : index
    %swap3A_47 = arith.constant 0 : index
    %swap3A_48 = vector.load %arg6[%swap3A_46, %swap3A_47] : memref<10000x128xf32, #tpu.memory_space<vmem>>, vector<10000x128xf32>
    tpu.vector_store %arg6[%swap3A_46, %swap3A_47], %mul3A_45 {strides = array<i32>} : memref<10000x128xf32, #tpu.memory_space<vmem>>, vector<10000x128xf32>,
    return
  }
}

module attributes {stable_mosaic.version = 14 : i64} {
  func.func @_tc_post_body(%arg0: memref<2x10240x128xf32, #tpu.memory_space<vmem>>, %arg1: memref<2x10240x1xf32, #tpu.memory_space<vmem>>, %arg2: memref<10000x128xf32, #tpu.memory_space<vmem>>, %arg3: memref<1x128xf32, #tpu.memory_space<vmem>>, %arg4: memref<10000x128xf32, #tpu.memory_space<vmem>>) attributes {dimension_semantics = [], scalar_prefetch = 0 : i64, scratch_operands = 0 : i64, tpu.core_type = #tpu.core_type<tc>} {
    %get3A = arith.constant 0 : index
    %get3A_0 = arith.constant 0 : index
    %get3A_1 = arith.constant 0 : index
    %get3A_2 = vector.load %arg0[%get3A, %get3A_0, %get3A_1] : memref<2x10240x128xf32, #tpu.memory_space<vmem>>, vector<1x10000x128xf32>
    %get3A_3 = vector.shape_cast %get3A_2 : vector<1x10000x128xf32> to vector<10000x128xf32>
    %get3A_4 = arith.constant 1 : index
    %get3A_5 = arith.constant 0 : index
    %get3A_6 = arith.constant 0 : index
    %get3A_7 = vector.load %arg0[%get3A_4, %get3A_5, %get3A_6] : memref<2x10240x128xf32, #tpu.memory_space<vmem>>, vector<1x10000x128xf32>
    %get3A_8 = vector.shape_cast %get3A_7 : vector<1x10000x128xf32> to vector<10000x128xf32>
    %add3A = arith.addf %get3A_3, %get3A_8 : vector<10000x128xf32>
    %get3A_9 = arith.constant 0 : index
    %get3A_10 = arith.constant 0 : index
    %get3A_11 = arith.constant 0 : index
    %get3A_12 = vector.load %arg1[%get3A_9, %get3A_10, %get3A_11] : memref<2x10240x1xf32, #tpu.memory_space<vmem>>, vector<1x10000x1xf32>
    %get3A_13 = vector.shape_cast %get3A_12 : vector<1x10000x1xf32> to vector<10000x1xf32>
    %get3A_14 = arith.constant 1 : index
    %get3A_15 = arith.constant 0 : index
    %get3A_16 = arith.constant 0 : index
    %get3A_17 = vector.load %arg1[%get3A_14, %get3A_15, %get3A_16] : memref<2x10240x1xf32, #tpu.memory_space<vmem>>, vector<1x10000x1xf32>
    %get3A_18 = vector.shape_cast %get3A_17 : vector<1x10000x1xf32> to vector<10000x1xf32>
    %add3A_19 = arith.addf %get3A_13, %get3A_18 : vector<10000x1xf32>
    %add3A_20 = arith.constant 1.000000e+00 : f32
    %add3A_21 = vector.broadcast %add3A_20 : f32 to vector<10000x1xf32>
    %add3A_22 = arith.addf %add3A_19, %add3A_21 : vector<10000x1xf32>
    %rsqrt3A = math.rsqrt %add3A_22 : vector<10000x1xf32>
    %mul3A = vector.broadcast %rsqrt3A : vector<10000x1xf32> to vector<10000x128xf32>
    %mul3A_23 = arith.mulf %add3A, %mul3A : vector<10000x128xf32>
    %get3A_24 = arith.constant 0 : index
    %get3A_25 = arith.constant 0 : index
    %get3A_26 = vector.load %arg2[%get3A_24, %get3A_25] : memref<10000x128xf32, #tpu.memory_space<vmem>>, vector<10000x128xf32>
    %mul3A_27 = arith.mulf %rsqrt3A, %rsqrt3A : vector<10000x1xf32>
    %mul3A_28 = vector.broadcast %mul3A_27 : vector<10000x1xf32> to vector<10000x128xf32>
    %mul3A_29 = arith.mulf %get3A_26, %mul3A_28 : vector<10000x128xf32>
    %add3A_30 = arith.addf %mul3A_23, %mul3A_29 : vector<10000x128xf32>
    %get3A_31 = arith.constant 0 : index
    %get3A_32 = arith.constant 0 : index
    %get3A_33 = vector.load %arg3[%get3A_31, %get3A_32] : memref<1x128xf32, #tpu.memory_space<vmem>>, vector<1x128xf32>
    %add3A_34 = vector.broadcast %get3A_33 : vector<1x128xf32> to vector<10000x128xf32>
    %add3A_35 = arith.addf %add3A_30, %add3A_34 : vector<10000x128xf32>
    %swap3A = arith.constant 0 : index
    %swap3A_36 = arith.constant 0 : index
    %swap3A_37 = vector.load %arg4[%swap3A, %swap3A_36] : memref<10000x128xf32, #tpu.memory_space<vmem>>, vector<10000x128xf32>
    tpu.vector_store %arg4[%swap3A, %swap3A_36], %add3A_35 {strides = array<i32>} : memref<10000x128xf32, #tpu.memory_space<vmem>>, vector<10000x128xf32>,
    return
  }
}

</mosaic_0001>

<sc_bundles>
// kernel: kernel.11.cloned.1.call-start
scs
__scs_entry_jumppad:
0x0: {  	(pc) =	sbr.rel $0x88, $3  }
0x1: {  	(tag) =	ssettag $0x0;
	lr =	simm.s32 $0x1  }
0x2: {  	[smem:$0x3F9B] =	sst lr;
	_ =	strace $0xD0000000  }
0x3: {  	_ = 	snop  }
0x4: {  	_ = 	snop  }
0x5: {  	_ = 	snop  }
0x6: {  	_ = 	snop  }
0x7: {  	_ = 	snop  }
__scs_overlays_trampoline_lowered:
0x8: {  	[smem:$0x3FAA] =	sst s0  }
0x9: {  	[smem:$0x3FAB] =	sst s1  }
0xa: {  	[smem:$0x3FAC] =	sst s2  }
0xb: {  	[smem:$0x3FAD] =	sst s3  }
0xc: {  	[smem:$0x3FAE] =	sst s4  }
0xd: {  	[smem:$0x3FAF] =	sst s5  }
0xe: {  	[smem:$0x3FB0] =	sst s6  }
0xf: {  	[smem:$0x3FB1] =	sst s7  }
0x10: {  	[smem:$0x3FB2] =	sst s8  }
0x11: {  	[smem:$0x3FB3] =	sst s9;
	s0 =	simm.s32 @!p0 $0x0  }
0x12: {  	s1 =	sld [smem:$0x3F99];
	s0 =	simm.s32 @p0 $0x1  }
0x13: {  	[smem:$0x3FB4] =	sst s0;
	s0 =	simm.s32 @!p1 $0x0  }
0x14: {  	s2 =	sld [smem:$0x3F98];
	s0 =	simm.s32 @p1 $0x1  }
0x15: {  	[smem:$0x3FB5] =	sst s0;
	s0 =	simm.s32 @!p2 $0x0  }
0x16: {  	s3 =	sld [smem:$0x3FDB];
	s0 =	simm.s32 @p2 $0x1  }
0x17: {  	s4 =	simm.s32 $0x1BF5;
	[smem:$0x3FB7] =	sst s0  }
0x18: {  	s0 =	sld [smem:$0x3F9A];
	_ =	swait.ge [sflag:s4], $0x0  }
0x19: {  	s7 =	sld [smem:$0x3F9B]  }
0x1a: {  	s8 =	sadd.s32 $0xFFFFE003, lr  }
0x1b: {  	s9 =	sadd.s32 $0xFFFFFEF7, lr;
	s5 =	simm.s32 $0xFFFFFFFF;
	p2 =	slt.u32 s8, $0xFFFFF086  }
0x1c: {  	p1 =	slt.u32 s9, $0xF7A;
	s5 =	simm.s32 @!p2 $0x0  }
0x1d: {  	s5 =	simm.s32 @p1 $0x1;
	p0 =	seq.s32 s7, s2  }
0x1e: {  	s7 =	smul.u32 @!p0 $0xF7A, s2;
	p2 =	seq.s32 @!p0 s5, $0x0  }
0x1f: {  	s9 =	smul.u32 $0xF7A, s1;
	s8 =	simm.s32 @!p0 $0x1BF5;
	p2 =	por !p2, p0  }
0x20: {  	[sflag:s8] =	ssyncset.s32 @!p0 $0xFFFFF086;
	s6 =	sadd.s32 @!p0 s3, s7;
	s7 =	simm.s32 @!p0 $0x108  }
0x21: {  	s3 =	sadd.s32 s3, s9;
	s6 =	sadd.s32 @!p0 $0x88, s6;
	s7 =	simm.s32 @p2 $0x1082  }
0x22: {  	[simem:s7], [sflag:s8] =	dma.local @!p0 [hbm:s6], $0xF7A  }
0x23: {  	s9 =	sor.u32 $0xD0000000, s2;
	s6 =	simm.s32 $0x108;
	_ =	swait.ge @!p0 [sflag:s8], $0x0  }
0x24: {  	s3 =	sadd.s32 $0x88, s3;
	s6 =	simm.s32 @!p1 $0x1082;
	[sflag:s4] =	ssyncset.s32 $0xFFFFF086  }
0x25: {  	[simem:s6], [sflag:s4] =	dma.local [hbm:s3], $0xF7A  }
0x26: {  	[smem:$0x3F9B] =	sst s1;
	(tag) =	ssettag s2;
	_ =	strace s9  }
0x27: {  	s1 =	sld [smem:$0x3FAB]  }
0x28: {  	s2 =	sld [smem:$0x3FAC]  }
0x29: {  	s4 =	sld [smem:$0x3FAE]  }
0x2a: {  	p0 =	seq.s32 s5, $0x0;
	s5 =	sld [smem:$0x3FAF]  }
0x2b: {  	s6 =	sld [smem:$0x3FB0]  }
0x2c: {  	s7 =	sld [smem:$0x3FB1]  }
0x2d: {  	s3 =	simm.s32 $0x108;
	s8 =	sld [smem:$0x3FB2]  }
0x2e: {  	s3 =	simm.s32 @!p0 $0x1082;
	s9 =	sld [smem:$0x3FB3]  }
0x2f: {  	lr =	sadd.s32 s0, s3;
	s0 =	sld [smem:$0x3FAA]  }
0x30: {  	s3 =	sld [smem:$0x3FAD]  }
0x31: {  	[smem:$0x3FB6] =	sst s10  }
0x32: {  	s10 =	sld [smem:$0x3FB4];
	_ =	sdelay $0x3  }
0x33: {  	p0 =	seq.s32 s10, $0x1;
	s10 =	sld [smem:$0x3FB6];
	_ =	sdelay $0x3  }
0x34: {  	[smem:$0x3FB6] =	sst s10  }
0x35: {  	s10 =	sld [smem:$0x3FB5];
	_ =	sdelay $0x3  }
0x36: {  	p1 =	seq.s32 s10, $0x1;
	s10 =	sld [smem:$0x3FB6];
	_ =	sdelay $0x3  }
0x37: {  	[smem:$0x3FB6] =	sst s10  }
0x38: {  	s10 =	sld [smem:$0x3FB7]  }
0x39: {  	_ = 	snop;
	(pc) =	sbr.ind lr, $3  }
0x3a: {  	_ = 	snop  }
0x3b: {  	_ = 	snop  }
0x3c: {  	p2 =	seq.s32 s10, $0x1;
	s10 =	sld [smem:$0x3FB6]  }
0x3d: {  	_ =	shalt  }
0x3e: {  	_ =	shalt  }
0x3f: {  	_ =	shalt  }
0x40: {  	_ =	shalt  }
0x41: {  	_ =	shalt  }
0x42: {  	_ =	shalt  }
0x43: {  	_ =	shalt  }
0x44: {  	_ =	shalt  }
0x45: {  	_ =	shalt  }
0x46: {  	_ =	shalt  }
0x47: {  	_ =	shalt  }
0x48: {  	_ =	shalt  }
0x49: {  	_ =	shalt  }
0x4a: {  	_ =	shalt  }
0x4b: {  	_ =	shalt  }
0x4c: {  	_ =	shalt  }
0x4d: {  	_ =	shalt  }
0x4e: {  	_ =	shalt  }
0x4f: {  	_ =	shalt  }
0x50: {  	_ =	shalt  }
0x51: {  	_ =	shalt  }
0x52: {  	_ =	shalt  }
0x53: {  	_ =	shalt  }
0x54: {  	_ =	shalt  }
0x55: {  	_ =	shalt  }
0x56: {  	_ =	shalt  }
0x57: {  	_ =	shalt  }
0x58: {  	_ =	shalt  }
0x59: {  	_ =	shalt  }
0x5a: {  	_ =	shalt  }
0x5b: {  	_ =	shalt  }
0x5c: {  	_ =	shalt  }
0x5d: {  	_ =	shalt  }
0x5e: {  	_ =	shalt  }
0x5f: {  	_ =	shalt  }
0x60: {  	_ =	shalt  }
0x61: {  	_ =	shalt  }
0x62: {  	_ =	shalt  }
0x63: {  	_ =	shalt  }
0x64: {  	_ =	shalt  }
0x65: {  	_ =	shalt  }
0x66: {  	_ =	shalt  }
0x67: {  	_ =	shalt  }
0x68: {  	_ =	shalt  }
0x69: {  	_ =	shalt  }
0x6a: {  	_ =	shalt  }
0x6b: {  	_ =	shalt  }
0x6c: {  	_ =	shalt  }
0x6d: {  	_ =	shalt  }
0x6e: {  	_ =	shalt  }
0x6f: {  	_ =	shalt  }
0x70: {  	_ =	shalt  }
0x71: {  	_ =	shalt  }
0x72: {  	_ =	shalt  }
0x73: {  	_ =	shalt  }
0x74: {  	_ =	shalt  }
0x75: {  	_ =	shalt  }
0x76: {  	_ =	shalt  }
0x77: {  	_ =	shalt  }
0x78: {  	_ =	shalt  }
0x79: {  	_ =	shalt  }
0x7a: {  	_ =	shalt  }
0x7b: {  	_ =	shalt  }
0x7c: {  	_ =	shalt  }
0x7d: {  	_ =	shalt  }
0x7e: {  	_ =	shalt  }
0x7f: {  	_ =	shalt  }
0x80: {  	_ =	shalt  }
0x81: {  	_ =	shalt  }
0x82: {  	_ =	shalt  }
0x83: {  	_ =	shalt  }
0x84: {  	_ =	shalt  }
0x85: {  	_ =	shalt  }
0x86: {  	_ =	shalt  }
0x87: {  	_ =	shalt  }
.Lfunc_end0:
.L_simem_size_0:
called_computation.1_lowered:
.L_overlay_start_0:
0x88: {  	s2 =	sld [smem:$0x3FD9]  }
0x89: {  	s3 =	sld [smem:$0x3FFE];
	_ =	sdelay $0x1  }
0x8a: {  	s1 =	srdreg.scid  }
0x8b: {  	s0 =	sand.u32 $0x1, s1  }
0x8c: {  	s17 =	sshll.u32 s0, $0xA;
	s2 =	sadd.s32 s3, s2  }
0x8d: {  	s2 =	sadd.s32 s2, s17  }
0x8e: {  	[smem:$0x3FC2] =	sst s2  }
0x8f: {  	_ = 	snop  }
0x90: {  	s2 =	sld [smem:$0x3FD0];
	(tm) =	ssettm $0x1  }
0x91: {  	s18 =	sld [smem:$0x3FFB];
	_ =	sdelay $0x3  }
0x92: {  	_ =	strace s18  }
0x93: {  	s3 =	sld [smem:$0x3FFC];
	_ =	sdelay $0x3  }
0x94: {  	_ =	strace s3  }
0x95: {  	s3 =	sld [smem:$0x3FFD];
	_ =	sdelay $0x3  }
0x96: {  	_ =	strace s3  }
0x97: {  	_ =	strace $0x8FFFFFFF  }
0x98: {  	s19 =	sld [smem:$0x3FDB];
	_ =	sdelay $0x1  }
0x99: {  	s4 =	simm.s32 $_scs_section_size  }
0x9a: {  	s5 =	simm.s32 $_size__tile_overlayer_lowered;
	s6 =	simm.s32 $_tile_overlayer_lowered  }
0x9b: {  	s22 =	simm.s32 $0x1BFF;
	s21 =	sshll.u32 s6, $0x1;
	s3 =	sadd.s32 s4, s19  }
0x9c: {  	s7 =	simm.s32 $0x0;
	s20 =	sshll.u32 s5, $0x1;
	s5 =	sadd.s32 s21, s3  }
0x9d: {  	[timem:s7], [sflag:s22] =	dma.local [hbm:s5], s20  }
0x9e: {  	_ =	swait.ge [sflag:s22], s20  }
0x9f: {  	s4 =	ssub.s32 $0x0, s20;
	[sflag:s22] =	ssyncset.done $0x0  }
0xa0: {  	[sflag:s22] =	ssyncadd.s32 s4;
	_ =	sdelay $0x1  }
0xa1: {  	s23 =	simm.s32 $0x1B8B  }
0xa2: {  	_ =	swait.ge [sflag:s23], $0x1  }
0xa3: {  	[sflag:s23] =	ssyncset.done $0x0  }
0xa4: {  	s25 =	simm.s32 $0x1B8E;
	s24 =	sld [smem:$0x3FFE];
	[sflag:s23] =	ssyncadd.s32 $0xFFFFFFFF  }
0xa5: {  	s26 =	simm.s32 $execute0_lowered;
	[smem:$0x3FD2] =	sst s25  }
0xa6: {  	s5 =	sshll.u32 s26, $0x1;
	_ =	strace $0x80000049;
	[dreg:$0x1] =	wrdreg $0xFFFFFFFF  }
0xa7: {  	s28 =	simm.s32 $_size_execute0_lowered;
	s3 =	sadd.s32 s3, s5;
	[dreg:$0x0] =	wrdreg $0x0  }
0xa8: {  	s5 =	sshll.u32 s28, $0x1;
	[dreg:$0x2] =	wrdreg s3  }
0xa9: {  	[dreg:$0x3] =	wrdreg s5  }
0xaa: {  	[dreg:$0x4] =	wrdreg $0xC0  }
0xab: {  	_ =	task [dreg:s7], $0x5FFFF  }
0xac: {  	[dreg:$0x1] =	wrdreg $0xFFFFFFFF  }
0xad: {  	[dreg:$0x0] =	wrdreg $0x60  }
0xae: {  	[dreg:$0x2] =	wrdreg s2  }
0xaf: {  	[dreg:$0x3] =	wrdreg s24  }
0xb0: {  	[dreg:$0x4] =	wrdreg $0x82000  }
0xb1: {  	[dreg:$0x5] =	wrdreg $0x9  }
0xb2: {  	_ =	task.clear_ibuf [dreg:s7], $0x6FFFF;
	_ =	strace $0x90000049  }
0xb3: {  	s29 =	simm.s32 $0x9;
	_ =	strace $0x8000004B  }
0xb4: {  	_ =	swait.ge [sflag:s29], $0x1  }
0xb5: {  	[sflag:s29] =	ssyncadd.s32 $0xFFFFFFFF  }
0xb6: {  	_ =	strace $0x9000004B  }
0xb7: {  	_ =	sfence  }
0xb8: {  	s30 =	sld [smem:$0x0];
	_ =	sdelay $0x2  }
0xb9: {  	s31 =	sshll.u32 s1, $0xD;
	s1 =	sshrl.u32 s1, $0x2  }
0xba: {  	s3 =	sand.u32 $0x4000, s31;
	s1 =	sadd.s32 s1, s30  }
0xbb: {  	s0 =	sor.u32 s3, s0;
	s1 =	sshll.u32 s1, $0x11  }
0xbc: {  	s0 =	sor.u32 s1, s0  }
0xbd: {  	s0 =	sadd.s32 $0x8F2B, s0  }
0xbe: {  	[sflag:s0] =	ssyncadd.remote.s32 $0x1  }
0xbf: {  	_ =	sfence.sel $0xFFFF  }
0xc0: {  	[dreg:$0x0] =	wrdreg $0xFFFFFFFF;
	(pc) =	sbr.abs _section_cstart, $3  }
0xc1: {  	[dreg:$0x1] =	wrdreg $0xFFFFFFFF  }
0xc2: {  	_ =	task.clear_ibuf [dreg:s7], $0x2FFFF;
	_ =	strace $0x9FFFFFFF  }
0xc3: {  	(tm) =	ssettm $0x7FFFFFFF  }
tec
execute0_lowered:
.L_overlay_start_1:
0x0: {  	(tag) =	ssettag $0x1  }
0x1: {  	s1 =	rddreg [dreg:$0x0]  }
0x2: {  	s0 =	rddreg [dreg:$0x1]  }
0x3: {  	s2 =	rddreg [dreg:$0x2];
	s3 =	srdreg.scid  }
0x4: {  	s4 =	simm.s32 $0x0;
	s9 =	stileid.u32;
	s19 =	simm.s32 $0x200  }
0x5: {  	s28 =	simm.s32 $0x4200;
	s29 =	simm.s32 $0x3;
	s30 =	simm.s32 $0x4  }
0x6: {  	s31 =	simm.s32 $0x8;
	s3 =	sand.u32 $0x1, s3;
	s7 =	smul.u32 $0x14000, s9  }
0x7: {  	[smem:$0x7FF] =	sst s4;
	s5 =	sadd.s32 $0xBE00, s0;
	s21 =	smul.u32 $0x50000, s9  }
0x8: {  	s6 =	smul.u32 $0x140000, s3;
	s8 =	sshll.u32 s3, $0x4;
	s3 =	ssub.s32 $0x2, s3  }
0x9: {  	_ =	strace $0x8000004A;
	s20 =	sor.u32 s9, s8;
	s23 =	sshrl.u32 s3, $0x1  }
0xa: {  	s8 =	sshrl.u32 s21, $0x2;
	s21 =	simm.s32 $0x80;
	s6 =	sadd.s32 s7, s6  }
0xb: {  	s7 =	sadd.s32 $0x1E00, s0;
	s3 =	ssub.s32 s3, s23;
	s8 =	sadd.s32 s8, s2  }
0xc: {  	s23 =	simm.s32 $0x180;
	s22 =	sshrl.u32 s6, $0x3;
	s6 =	smul.u32 $0x2800, s20  }
0xd: {  	s14 =	smax.u32 s3, $0x1;
	s15 =	sadd.s32 $0x4000, s8;
	s16 =	sadd.s32 $0x8000, s8  }
0xe: {  	s17 =	sadd.s32 $0xC000, s8;
	s18 =	sadd.s32 $0x10000, s8;
	s20 =	simm.s32 $0x9  }
0xf: {  	s0 =	sadd.s32 s22, s0;
	s22 =	simm.s32 $0x100;
	s11 =	sshrl.u32 s6, $0x3  }
0x10: {  	s13 =	sadd.s32 $0x65E00, s0;
	s24 =	sadd.s32 s5, s11;
	s12 =	sor.u32 $0x10, s11  }
0x11: {  	s26 =	sadd.s32 s7, s11;
	[dreg:$0x4] =	wrdreg s24;
	s25 =	sadd.s32 s5, s12  }
0x12: {  	[dreg:$0x6] =	wrdreg s26;
	s12 =	sadd.s32 s7, s12;
	s24 =	simm.s32 $0x1  }
0x13: {  	v0 =	vimm.f32 $0.0e+00;
	s26 =	simm.s32 $0x5;
	[dreg:$0x5] =	wrdreg s25;
	s25 =	simm.s32 $0x2  }
.LBB2_1:
0x14: {  	s0 =	simm.s32 $0x0;
	s3 =	simm.s32 $0x200  }
.LBB2_2:
0x15: {  	p0 =	sne.s32 s3, $0xFE00;
	[tilespmem:s0+$0x270] =	vst v0  }
0x16: {  	[tilespmem:s0+$0x200] =	vst v0  }
0x17: {  	[tilespmem:s0+$0x210] =	vst v0  }
.Ltmp0:
0x18: {  	[tilespmem:s0+$0x220] =	vst v0;
	(pc) =	sbr.rel @p0 .LBB2_2-.Ltmp0, $4  }
0x19: {  	[tilespmem:s0+$0x230] =	vst v0  }
0x1a: {  	[tilespmem:s0+$0x240] =	vst v0  }
0x1b: {  	[tilespmem:s0+$0x250] =	vst v0  }
0x1c: {  	[tilespmem:s0+$0x260] =	vst v0;
	s0 =	sshra.s32 s3, $0x2;
	s3 =	sadd.s32 $0x200, s3  }
0x1d: {  	[tilespmem:s0+$0x270] =	vst v0  }
0x1e: {  	[tilespmem:s0+$0x200] =	vst v0  }
0x1f: {  	[tilespmem:s0+$0x210] =	vst v0  }
0x20: {  	[tilespmem:s0+$0x220] =	vst v0  }
0x21: {  	[tilespmem:s0+$0x230] =	vst v0  }
0x22: {  	[tilespmem:s0+$0x240] =	vst v0  }
0x23: {  	[tilespmem:s0+$0x250] =	vst v0  }
0x24: {  	[tilespmem:s0+$0x260] =	vst v0  }
0x25: {  	[spmem:s8] =	stream.linear.scatter [tilespmem:s19], [sflag:$0x9], $0x4000, $0x38;
	[tilespmem:$0x1C200] =	vst v63  }
0x26: {  	_ =	swait.ge [sflag:s20], $0x4000  }
0x27: {  	[sflag:s20] =	ssyncset.done $0x0  }
0x28: {  	[sflag:s20] =	ssyncadd.s32 $0xFFFFC000  }
0x29: {  	[spmem:s15] =	stream.linear.scatter [tilespmem:s19], [sflag:$0x9], $0x4000, $0x38;
	[tilespmem:$0x1C200] =	vst v63  }
0x2a: {  	_ =	swait.ge [sflag:s20], $0x4000  }
0x2b: {  	[sflag:s20] =	ssyncset.done $0x0  }
0x2c: {  	[sflag:s20] =	ssyncadd.s32 $0xFFFFC000  }
0x2d: {  	[spmem:s16] =	stream.linear.scatter [tilespmem:s19], [sflag:$0x9], $0x4000, $0x38;
	[tilespmem:$0x1C200] =	vst v63  }
0x2e: {  	_ =	swait.ge [sflag:s20], $0x4000  }
0x2f: {  	[sflag:s20] =	ssyncset.done $0x0  }
0x30: {  	[sflag:s20] =	ssyncadd.s32 $0xFFFFC000  }
0x31: {  	[spmem:s17] =	stream.linear.scatter [tilespmem:s19], [sflag:$0x9], $0x4000, $0x38;
	[tilespmem:$0x1C200] =	vst v63  }
0x32: {  	_ =	swait.ge [sflag:s20], $0x4000  }
0x33: {  	[sflag:s20] =	ssyncset.done $0x0  }
0x34: {  	[sflag:s20] =	ssyncadd.s32 $0xFFFFC000  }
0x35: {  	[spmem:s18] =	stream.linear.scatter [tilespmem:s19], [sflag:$0x9], $0x4000, $0x38;
	[tilespmem:$0x1C200] =	vst v63  }
0x36: {  	_ =	swait.ge [sflag:s20], $0x4000  }
0x37: {  	[sflag:s20] =	ssyncset.done $0x0  }
0x38: {  	[sflag:s20] =	ssyncadd.s32 $0xFFFFC000  }
0x39: {  	[bflag:$0x0] =	sbarrier.arrive $0xFFFF  }
0x3a: {  	s0 =	simm.s32 $0x0;
	s3 =	rddreg [dreg:$0x4]  }
0x3b: {  	[tilespmem:s0], [sflag:$0x1] =	stream.linear.gather [hbm4b:s3+s0], $0x80, $0x38;
	[tilespmem:$0x1C200] =	vst v63  }
0x3c: {  	s10 =	rddreg [dreg:$0x5]  }
0x3d: {  	[tilespmem:s21], [sflag:$0x2] =	stream.linear.gather [hbm4b:s10+s0], $0x80, $0x38;
	[tilespmem:$0x1C200] =	vst v63  }
0x3e: {  	s11 =	rddreg [dreg:$0x6]  }
0x3f: {  	[tilespmem:s22], [sflag:$0x3] =	stream.linear.gather [hbm4b:s11+s0], $0x80, $0x38;
	[tilespmem:$0x1C200] =	vst v63  }
0x40: {  	_ = 	snop  }
0x41: {  	[tilespmem:s23], [sflag:$0x4] =	stream.linear.gather [hbm4b:s12+s0], $0x80, $0x38;
	[tilespmem:$0x1C200] =	vst v63  }
0x42: {  	_ =	swait.ge [sflag:s24], $0x80  }
0x43: {  	[sflag:s24] =	ssyncset.done $0x0  }
0x44: {  	[sflag:s24] =	ssyncadd.s32 $0xFFFFFF80  }
0x45: {  	[tilespmem:s19], [sflag:$0x5] =	stream.indirect.gather [hbm4b:s1+s21], $0x80, s0, s21, $0xb8;
	[tilespmem:$0x1C200] =	vst v63  }
.LBB2_4:
0x46: {  	_ =	swait.ge [sflag:s25], $0x80  }
0x47: {  	[sflag:s25] =	ssyncset.done $0x0  }
0x48: {  	p0 =	seq.s32 s0, $0x0;
	[sflag:s25] =	ssyncadd.s32 $0xFFFFFF80  }
0x49: {  	s3 =	sand.u32 @!p0 $0x3C00, s0;
	_ =	swait.ge [sflag:s26], $0x4000  }
0x4a: {  	s9 =	sand.u32 @!p0 $0x300, s0;
	s3 =	sadd.s32 @!p0 s6, s3;
	[sflag:s26] =	ssyncset.done $0x0  }
0x4b: {  	s10 =	simm.s32 @!p0 $0x8;
	s3 =	sor.u32 @!p0 s3, s9;
	[sflag:s26] =	ssyncadd.s32 $0xFFFFC000  }
0x4c: {  	s3 =	sor.u32 @!p0 $0x80, s3;
	_ =	swait.ge @!p0 [sflag:s10], $0x4000  }
0x4d: {  	s9 =	simm.s32 @!p0 $0x0;
	s3 =	sshrl.u32 @!p0 s3, $0x3;
	[sflag:s10] =	ssyncset.done @!p0 $0x0  }
0x4e: {  	s3 =	sadd.s32 @!p0 s7, s3;
	[sflag:s10] =	ssyncadd.s32 @!p0 $0xFFFFC000;
	s10 =	simm.s32 @!p0 $0x180  }
0x4f: {  	[tilespmem:s10], [sflag:$0x4] =	stream.linear.gather @!p0 [hbm4b:s3+s9], $0x80, $0x38;
	[tilespmem:$0x1C200] =	vst v63  }
0x50: {  	_ = 	snop  }
0x51: {  	[tilespmem:s28], [sflag:$0x6] =	stream.indirect.gather [hbm4b:s1+s21], $0x80, s21, s21, $0xb8;
	[tilespmem:$0x1C200] =	vst v63  }
0x52: {  	_ =	swait.ge [sflag:s29], $0x80  }
0x53: {  	p0 =	seq.s32 s0, $0x2700;
	[sflag:s29] =	ssyncset.done $0x0  }
0x54: {  	s3 =	simm.s32 @p0 $0x6;
	[sflag:s29] =	ssyncadd.s32 $0xFFFFFF80  }
0x55: {  	[spmem:s2] =	stream.indirect.scatter.add.f32 [tilespmem:s19], [sflag:$0x7], $0x80, s22, s21, $0xb8;
	[tilespmem:$0x1C200] =	vst v63  }
0x56: {  	_ =	swait.ge @p0 [sflag:s3], $0x4000  }
0x57: {  	s9 =	sadd.s32 @!p0 $0x100, s0;
	[sflag:s3] =	ssyncset.done @p0 $0x0  }
0x58: {  	[sflag:s3] =	ssyncadd.s32 @p0 $0xFFFFC000;
	s3 =	sand.u32 @!p0 $0x7C00, s9  }
0x59: {  	s10 =	simm.s32 @p0 $0x7;
	s11 =	sand.u32 @!p0 $0x300, s9;
	s3 =	sadd.s32 @!p0 s6, s3  }
0x5a: {  	_ =	swait.ge @p0 [sflag:s10], $0x4000;
	s3 =	sor.u32 @!p0 s11, s3  }
0x5b: {  	[sflag:s10] =	ssyncset.done @p0 $0x0;
	s3 =	sshrl.u32 @!p0 s3, $0x3  }
0x5c: {  	s11 =	simm.s32 @!p0 $0x0;
	[sflag:s10] =	ssyncadd.s32 @p0 $0xFFFFC000;
	s10 =	sadd.s32 @!p0 s5, s3  }
0x5d: {  	[tilespmem:s11], [sflag:$0x1] =	stream.linear.gather @!p0 [hbm4b:s10+s11], $0x80, $0x38;
	[tilespmem:$0x1C200] =	vst v63  }
0x5e: {  	s10 =	simm.s32 @!p0 $0x6  }
0x5f: {  	_ =	swait.ge @!p0 [sflag:s10], $0x4000  }
0x60: {  	[sflag:s10] =	ssyncset.done @!p0 $0x0  }
0x61: {  	[sflag:s10] =	ssyncadd.s32 @!p0 $0xFFFFC000;
	s10 =	simm.s32 @!p0 $0x7  }
0x62: {  	_ =	swait.ge @!p0 [sflag:s10], $0x4000  }
0x63: {  	[sflag:s10] =	ssyncset.done @!p0 $0x0  }
0x64: {  	s3 =	sadd.s32 @!p0 s7, s3;
	[sflag:s10] =	ssyncadd.s32 @!p0 $0xFFFFC000;
	s10 =	simm.s32 @!p0 $0x100  }
0x65: {  	[tilespmem:s10], [sflag:$0x3] =	stream.linear.gather @!p0 [hbm4b:s3+s11], $0x80, $0x38;
	[tilespmem:$0x1C200] =	vst v63  }
0x66: {  	s3 =	simm.s32 @!p0 $0x1  }
0x67: {  	_ =	swait.ge @!p0 [sflag:s3], $0x80  }
0x68: {  	s0 =	sadd.s32 @!p0 $0x180, s0;
	[sflag:s3] =	ssyncset.done @!p0 $0x0  }
0x69: {  	s10 =	simm.s32 @!p0 $0x200;
	[sflag:s3] =	ssyncadd.s32 @!p0 $0xFFFFFF80;
	s3 =	simm.s32 @!p0 $0x80  }
0x6a: {  	[tilespmem:s10], [sflag:$0x5] =	stream.indirect.gather @!p0 [hbm4b:s1+s3], $0x80, s11, s3, $0xb8;
	[tilespmem:$0x1C200] =	vst v63  }
0x6b: {  	s10 =	sand.u32 @!p0 $0x7C00, s0  }
0x6c: {  	s0 =	sand.u32 @!p0 $0x380, s0;
	_ =	swait.ge [sflag:s30], $0x80;
	s10 =	sadd.s32 @!p0 s6, s10  }
0x6d: {  	[sflag:s30] =	ssyncset.done $0x0;
	s0 =	sor.u32 @!p0 s0, s10  }
0x6e: {  	[sflag:s30] =	ssyncadd.s32 $0xFFFFFF80;
	s0 =	sshrl.u32 @!p0 s0, $0x3  }
0x6f: {  	[spmem:s2] =	stream.indirect.scatter.add.f32 [tilespmem:s28], [sflag:$0x8], $0x80, s23, s21, $0xb8;
	[tilespmem:$0x1C200] =	vst v63  }
0x70: {  	p1 =	sne.s32 @!p0 s9, $0x2800;
	s0 =	sadd.s32 @!p0 s5, s0  }
0x71: {  	[tilespmem:s3], [sflag:$0x2] =	stream.linear.gather @!p0 [hbm4b:s0+s11], $0x80, $0x38;
	[tilespmem:$0x1C200] =	vst v63  }
0x72: {  	p0 =	por p0, !p1  }
.Ltmp1:
0x73: {  	_ = 	snop;
	(pc) =	sbr.rel @!p0 .LBB2_4-.Ltmp1, $2  }
0x74: {  	_ =	sdelay $0x2  }
0x75: {  	s0 =	smov.u32 s9  }
0x76: {  	_ =	swait.ge [sflag:s31], $0x4000;
	s0 =	stileid.u32  }
0x77: {  	s3 =	sshrl.u32 s8, $0x3;
	s4 =	sadd.s32 $0x1, s4;
	[sflag:s31] =	ssyncset.done $0x0  }
0x78: {  	s0 =	sshll.u32 s0, $0x6;
	p0 =	sne.s32 s4, s14;
	[sflag:s31] =	ssyncadd.s32 $0xFFFFC000  }
.Ltmp2:
0x79: {  	s0 =	sor.u32 $0x1C09, s0;
	[bflag:$0x0] =	sbarrier.arrive $0xFFFF;
	(pc) =	sbr.rel @p0 .LBB2_1-.Ltmp2, $4  }
0x7a: {  	[hbm:s13], [sflag:s0] =	dma.local [spmem:s3], $0x2800  }
0x7b: {  	_ =	swait.ge [sflag:s20], $0x2800  }
0x7c: {  	[sflag:s20] =	ssyncset.done $0x0  }
0x7d: {  	[sflag:s20] =	ssyncadd.s32 $0xFFFFD800  }
0x7e: {  	_ =	sfence.sel $0x180000  }
0x7f: {  	[bflag:$0x0] =	sbarrier.arrive $0xFFFF  }
0x80: {  	_ =	strace $0x9000004A  }
0x81: {  	s0 =	stileid.u32;
	[bflag:$0x2] =	sbarrier.arrive $0xFFFF  }
0x82: {  	p0 =	sne.s32 s0, $0x0;
	s0 =	rddreg [dreg:$0x3]  }
0x83: {  	s0 =	sadd.s32 @!p0 $0x100000, s0  }
0x84: {  	[sflag:s0] =	ssyncadd.tile.s32 @!p0 $0x1;
	_ =	shalt  }
.Lfunc_end2:
_tile_overlayer_lowered:
.L_overlay_start_2:
0x85: {  	(tag) =	ssettag $0x2  }
0x86: {  	s0 =	rddreg [dreg:$0x0];
	s2 =	stileid.u32  }
0x87: {  	s1 =	rddreg [dreg:$0x1];
	p0 =	sne.s32 s2, $0x0  }
0x88: {  	s3 =	rddreg [dreg:$0x2];
	[bflag:$0x3] =	sbarrier.arrive $0xFFFF;
	s2 =	simm.s32 @!p0 $0x1C09  }
0x89: {  	[timem:s3], [sflag:s2] =	dma.local @!p0 [hbm:s0], s1  }
0x8a: {  	s0 =	simm.s32 @!p0 $0x9  }
0x8b: {  	_ =	swait.ge @!p0 [sflag:s0], s1  }
0x8c: {  	s1 =	ssub.s32 @!p0 $0x0, s1;
	[sflag:s0] =	ssyncset.done @!p0 $0x0  }
0x8d: {  	[sflag:s0] =	ssyncadd.s32 @!p0 s1  }
0x8e: {  	[bflag:$0x3] =	sbarrier.arrive $0xFFFF  }
0x8f: {  	_ =	shalt  }

// kernel: kernel.14.cloned.1.call-start
scs
__scs_entry_jumppad:
0x0: {  	(pc) =	sbr.rel $0x88, $3  }
0x1: {  	(tag) =	ssettag $0x0;
	lr =	simm.s32 $0x1  }
0x2: {  	[smem:$0x3F9B] =	sst lr;
	_ =	strace $0xD0000000  }
0x3: {  	_ = 	snop  }
0x4: {  	_ = 	snop  }
0x5: {  	_ = 	snop  }
0x6: {  	_ = 	snop  }
0x7: {  	_ = 	snop  }
__scs_overlays_trampoline_lowered:
0x8: {  	[smem:$0x3FAA] =	sst s0  }
0x9: {  	[smem:$0x3FAB] =	sst s1  }
0xa: {  	[smem:$0x3FAC] =	sst s2  }
0xb: {  	[smem:$0x3FAD] =	sst s3  }
0xc: {  	[smem:$0x3FAE] =	sst s4  }
0xd: {  	[smem:$0x3FAF] =	sst s5  }
0xe: {  	[smem:$0x3FB0] =	sst s6  }
0xf: {  	[smem:$0x3FB1] =	sst s7  }
0x10: {  	[smem:$0x3FB2] =	sst s8  }
0x11: {  	[smem:$0x3FB3] =	sst s9;
	s0 =	simm.s32 @!p0 $0x0  }
0x12: {  	s1 =	sld [smem:$0x3F99];
	s0 =	simm.s32 @p0 $0x1  }
0x13: {  	[smem:$0x3FB4] =	sst s0;
	s0 =	simm.s32 @!p1 $0x0  }
0x14: {  	s2 =	sld [smem:$0x3F98];
	s0 =	simm.s32 @p1 $0x1  }
0x15: {  	[smem:$0x3FB5] =	sst s0;
	s0 =	simm.s32 @!p2 $0x0  }
0x16: {  	s3 =	sld [smem:$0x3FDB];
	s0 =	simm.s32 @p2 $0x1  }
0x17: {  	s4 =	simm.s32 $0x1BF5;
	[smem:$0x3FB7] =	sst s0  }
0x18: {  	s0 =	sld [smem:$0x3F9A];
	_ =	swait.ge [sflag:s4], $0x0  }
0x19: {  	s7 =	sld [smem:$0x3F9B]  }
0x1a: {  	s8 =	sadd.s32 $0xFFFFE003, lr  }
0x1b: {  	s9 =	sadd.s32 $0xFFFFFEF7, lr;
	s5 =	simm.s32 $0xFFFFFFFF;
	p2 =	slt.u32 s8, $0xFFFFF086  }
0x1c: {  	p1 =	slt.u32 s9, $0xF7A;
	s5 =	simm.s32 @!p2 $0x0  }
0x1d: {  	s5 =	simm.s32 @p1 $0x1;
	p0 =	seq.s32 s7, s2  }
0x1e: {  	s7 =	smul.u32 @!p0 $0xF7A, s2;
	p2 =	seq.s32 @!p0 s5, $0x0  }
0x1f: {  	s9 =	smul.u32 $0xF7A, s1;
	s8 =	simm.s32 @!p0 $0x1BF5;
	p2 =	por !p2, p0  }
0x20: {  	[sflag:s8] =	ssyncset.s32 @!p0 $0xFFFFF086;
	s6 =	sadd.s32 @!p0 s3, s7;
	s7 =	simm.s32 @!p0 $0x108  }
0x21: {  	s3 =	sadd.s32 s3, s9;
	s6 =	sadd.s32 @!p0 $0x88, s6;
	s7 =	simm.s32 @p2 $0x1082  }
0x22: {  	[simem:s7], [sflag:s8] =	dma.local @!p0 [hbm:s6], $0xF7A  }
0x23: {  	s9 =	sor.u32 $0xD0000000, s2;
	s6 =	simm.s32 $0x108;
	_ =	swait.ge @!p0 [sflag:s8], $0x0  }
0x24: {  	s3 =	sadd.s32 $0x88, s3;
	s6 =	simm.s32 @!p1 $0x1082;
	[sflag:s4] =	ssyncset.s32 $0xFFFFF086  }
0x25: {  	[simem:s6], [sflag:s4] =	dma.local [hbm:s3], $0xF7A  }
0x26: {  	[smem:$0x3F9B] =	sst s1;
	(tag) =	ssettag s2;
	_ =	strace s9  }
0x27: {  	s1 =	sld [smem:$0x3FAB]  }
0x28: {  	s2 =	sld [smem:$0x3FAC]  }
0x29: {  	s4 =	sld [smem:$0x3FAE]  }
0x2a: {  	p0 =	seq.s32 s5, $0x0;
	s5 =	sld [smem:$0x3FAF]  }
0x2b: {  	s6 =	sld [smem:$0x3FB0]  }
0x2c: {  	s7 =	sld [smem:$0x3FB1]  }
0x2d: {  	s3 =	simm.s32 $0x108;
	s8 =	sld [smem:$0x3FB2]  }
0x2e: {  	s3 =	simm.s32 @!p0 $0x1082;
	s9 =	sld [smem:$0x3FB3]  }
0x2f: {  	lr =	sadd.s32 s0, s3;
	s0 =	sld [smem:$0x3FAA]  }
0x30: {  	s3 =	sld [smem:$0x3FAD]  }
0x31: {  	[smem:$0x3FB6] =	sst s10  }
0x32: {  	s10 =	sld [smem:$0x3FB4];
	_ =	sdelay $0x3  }
0x33: {  	p0 =	seq.s32 s10, $0x1;
	s10 =	sld [smem:$0x3FB6];
	_ =	sdelay $0x3  }
0x34: {  	[smem:$0x3FB6] =	sst s10  }
0x35: {  	s10 =	sld [smem:$0x3FB5];
	_ =	sdelay $0x3  }
0x36: {  	p1 =	seq.s32 s10, $0x1;
	s10 =	sld [smem:$0x3FB6];
	_ =	sdelay $0x3  }
0x37: {  	[smem:$0x3FB6] =	sst s10  }
0x38: {  	s10 =	sld [smem:$0x3FB7]  }
0x39: {  	_ = 	snop;
	(pc) =	sbr.ind lr, $3  }
0x3a: {  	_ = 	snop  }
0x3b: {  	_ = 	snop  }
0x3c: {  	p2 =	seq.s32 s10, $0x1;
	s10 =	sld [smem:$0x3FB6]  }
0x3d: {  	_ =	shalt  }
0x3e: {  	_ =	shalt  }
0x3f: {  	_ =	shalt  }
0x40: {  	_ =	shalt  }
0x41: {  	_ =	shalt  }
0x42: {  	_ =	shalt  }
0x43: {  	_ =	shalt  }
0x44: {  	_ =	shalt  }
0x45: {  	_ =	shalt  }
0x46: {  	_ =	shalt  }
0x47: {  	_ =	shalt  }
0x48: {  	_ =	shalt  }
0x49: {  	_ =	shalt  }
0x4a: {  	_ =	shalt  }
0x4b: {  	_ =	shalt  }
0x4c: {  	_ =	shalt  }
0x4d: {  	_ =	shalt  }
0x4e: {  	_ =	shalt  }
0x4f: {  	_ =	shalt  }
0x50: {  	_ =	shalt  }
0x51: {  	_ =	shalt  }
0x52: {  	_ =	shalt  }
0x53: {  	_ =	shalt  }
0x54: {  	_ =	shalt  }
0x55: {  	_ =	shalt  }
0x56: {  	_ =	shalt  }
0x57: {  	_ =	shalt  }
0x58: {  	_ =	shalt  }
0x59: {  	_ =	shalt  }
0x5a: {  	_ =	shalt  }
0x5b: {  	_ =	shalt  }
0x5c: {  	_ =	shalt  }
0x5d: {  	_ =	shalt  }
0x5e: {  	_ =	shalt  }
0x5f: {  	_ =	shalt  }
0x60: {  	_ =	shalt  }
0x61: {  	_ =	shalt  }
0x62: {  	_ =	shalt  }
0x63: {  	_ =	shalt  }
0x64: {  	_ =	shalt  }
0x65: {  	_ =	shalt  }
0x66: {  	_ =	shalt  }
0x67: {  	_ =	shalt  }
0x68: {  	_ =	shalt  }
0x69: {  	_ =	shalt  }
0x6a: {  	_ =	shalt  }
0x6b: {  	_ =	shalt  }
0x6c: {  	_ =	shalt  }
0x6d: {  	_ =	shalt  }
0x6e: {  	_ =	shalt  }
0x6f: {  	_ =	shalt  }
0x70: {  	_ =	shalt  }
0x71: {  	_ =	shalt  }
0x72: {  	_ =	shalt  }
0x73: {  	_ =	shalt  }
0x74: {  	_ =	shalt  }
0x75: {  	_ =	shalt  }
0x76: {  	_ =	shalt  }
0x77: {  	_ =	shalt  }
0x78: {  	_ =	shalt  }
0x79: {  	_ =	shalt  }
0x7a: {  	_ =	shalt  }
0x7b: {  	_ =	shalt  }
0x7c: {  	_ =	shalt  }
0x7d: {  	_ =	shalt  }
0x7e: {  	_ =	shalt  }
0x7f: {  	_ =	shalt  }
0x80: {  	_ =	shalt  }
0x81: {  	_ =	shalt  }
0x82: {  	_ =	shalt  }
0x83: {  	_ =	shalt  }
0x84: {  	_ =	shalt  }
0x85: {  	_ =	shalt  }
0x86: {  	_ =	shalt  }
0x87: {  	_ =	shalt  }
.Lfunc_end0:
.L_simem_size_0:
called_computation.2_lowered:
.L_overlay_start_0:
0x88: {  	s2 =	sld [smem:$0x3FD9]  }
0x89: {  	s3 =	sld [smem:$0x3FFE];
	_ =	sdelay $0x1  }
0x8a: {  	s1 =	srdreg.scid  }
0x8b: {  	s0 =	sand.u32 $0x1, s1  }
0x8c: {  	s17 =	sshll.u32 s0, $0xA;
	s2 =	sadd.s32 s3, s2  }
0x8d: {  	s2 =	sadd.s32 s2, s17  }
0x8e: {  	[smem:$0x3FC2] =	sst s2  }
0x8f: {  	_ = 	snop  }
0x90: {  	s2 =	sld [smem:$0x3FD0];
	(tm) =	ssettm $0x1  }
0x91: {  	s18 =	sld [smem:$0x3FFB];
	_ =	sdelay $0x3  }
0x92: {  	_ =	strace s18  }
0x93: {  	s3 =	sld [smem:$0x3FFC];
	_ =	sdelay $0x3  }
0x94: {  	_ =	strace s3  }
0x95: {  	s3 =	sld [smem:$0x3FFD];
	_ =	sdelay $0x3  }
0x96: {  	_ =	strace s3  }
0x97: {  	_ =	strace $0x8FFFFFFF  }
0x98: {  	s19 =	sld [smem:$0x3FDB];
	_ =	sdelay $0x1  }
0x99: {  	s4 =	simm.s32 $_scs_section_size  }
0x9a: {  	s5 =	simm.s32 $_size__tile_overlayer_lowered;
	s6 =	simm.s32 $_tile_overlayer_lowered  }
0x9b: {  	s22 =	simm.s32 $0x1BFF;
	s21 =	sshll.u32 s6, $0x1;
	s3 =	sadd.s32 s4, s19  }
0x9c: {  	s7 =	simm.s32 $0x0;
	s20 =	sshll.u32 s5, $0x1;
	s5 =	sadd.s32 s21, s3  }
0x9d: {  	[timem:s7], [sflag:s22] =	dma.local [hbm:s5], s20  }
0x9e: {  	_ =	swait.ge [sflag:s22], s20  }
0x9f: {  	s4 =	ssub.s32 $0x0, s20;
	[sflag:s22] =	ssyncset.done $0x0  }
0xa0: {  	[sflag:s22] =	ssyncadd.s32 s4;
	_ =	sdelay $0x1  }
0xa1: {  	s23 =	simm.s32 $0x1B8B  }
0xa2: {  	_ =	swait.ge [sflag:s23], $0x1  }
0xa3: {  	[sflag:s23] =	ssyncset.done $0x0  }
0xa4: {  	s25 =	simm.s32 $0x1B8E;
	s24 =	sld [smem:$0x3FFE];
	[sflag:s23] =	ssyncadd.s32 $0xFFFFFFFF  }
0xa5: {  	s26 =	simm.s32 $execute0_lowered;
	[smem:$0x3FD2] =	sst s25  }
0xa6: {  	s5 =	sshll.u32 s26, $0x1;
	_ =	strace $0x8000004C;
	[dreg:$0x1] =	wrdreg $0xFFFFFFFF  }
0xa7: {  	s28 =	simm.s32 $_size_execute0_lowered;
	s3 =	sadd.s32 s3, s5;
	[dreg:$0x0] =	wrdreg $0x0  }
0xa8: {  	s5 =	sshll.u32 s28, $0x1;
	[dreg:$0x2] =	wrdreg s3  }
0xa9: {  	[dreg:$0x3] =	wrdreg s5  }
0xaa: {  	[dreg:$0x4] =	wrdreg $0xC0  }
0xab: {  	_ =	task [dreg:s7], $0x5FFFF  }
0xac: {  	[dreg:$0x1] =	wrdreg $0xFFFFFFFF  }
0xad: {  	[dreg:$0x0] =	wrdreg $0x60  }
0xae: {  	[dreg:$0x2] =	wrdreg s2  }
0xaf: {  	[dreg:$0x3] =	wrdreg s24  }
0xb0: {  	[dreg:$0x4] =	wrdreg $0x82000  }
0xb1: {  	[dreg:$0x5] =	wrdreg $0x9  }
0xb2: {  	_ =	task.clear_ibuf [dreg:s7], $0x6FFFF;
	_ =	strace $0x9000004C  }
0xb3: {  	s29 =	simm.s32 $0x9;
	_ =	strace $0x8000004E  }
0xb4: {  	_ =	swait.ge [sflag:s29], $0x1  }
0xb5: {  	[sflag:s29] =	ssyncadd.s32 $0xFFFFFFFF  }
0xb6: {  	_ =	strace $0x9000004E  }
0xb7: {  	_ =	sfence  }
0xb8: {  	s30 =	sld [smem:$0x0];
	_ =	sdelay $0x2  }
0xb9: {  	s31 =	sshll.u32 s1, $0xD;
	s1 =	sshrl.u32 s1, $0x2  }
0xba: {  	s3 =	sand.u32 $0x4000, s31;
	s1 =	sadd.s32 s1, s30  }
0xbb: {  	s0 =	sor.u32 s3, s0;
	s1 =	sshll.u32 s1, $0x11  }
0xbc: {  	s0 =	sor.u32 s1, s0  }
0xbd: {  	s0 =	sadd.s32 $0x8F2B, s0  }
0xbe: {  	[sflag:s0] =	ssyncadd.remote.s32 $0x1  }
0xbf: {  	_ =	sfence.sel $0xFFFF  }
0xc0: {  	[dreg:$0x0] =	wrdreg $0xFFFFFFFF;
	(pc) =	sbr.abs _section_cstart, $3  }
0xc1: {  	[dreg:$0x1] =	wrdreg $0xFFFFFFFF  }
0xc2: {  	_ =	task.clear_ibuf [dreg:s7], $0x2FFFF;
	_ =	strace $0x9FFFFFFF  }
0xc3: {  	(tm) =	ssettm $0x7FFFFFFF  }
tec
execute0_lowered:
.L_overlay_start_1:
0x0: {  	(tag) =	ssettag $0x1  }
0x1: {  	s1 =	rddreg [dreg:$0x0]  }
0x2: {  	s0 =	rddreg [dreg:$0x1]  }
0x3: {  	s2 =	rddreg [dreg:$0x2];
	s3 =	srdreg.scid  }
0x4: {  	s4 =	simm.s32 $0x0;
	s9 =	stileid.u32;
	s19 =	simm.s32 $0x200  }
0x5: {  	s28 =	simm.s32 $0x4200;
	s29 =	simm.s32 $0x3;
	s30 =	simm.s32 $0x4  }
0x6: {  	s31 =	simm.s32 $0x8;
	s3 =	sand.u32 $0x1, s3;
	s7 =	smul.u32 $0x14000, s9  }
0x7: {  	[smem:$0x7FF] =	sst s4;
	s5 =	sadd.s32 $0xBE00, s0;
	s21 =	smul.u32 $0x50000, s9  }
0x8: {  	s6 =	smul.u32 $0x140000, s3;
	s8 =	sshll.u32 s3, $0x4;
	s3 =	ssub.s32 $0x2, s3  }
0x9: {  	_ =	strace $0x8000004D;
	s20 =	sor.u32 s9, s8;
	s23 =	sshrl.u32 s3, $0x1  }
0xa: {  	s8 =	sshrl.u32 s21, $0x2;
	s21 =	simm.s32 $0x80;
	s6 =	sadd.s32 s7, s6  }
0xb: {  	s7 =	sadd.s32 $0x1E00, s0;
	s3 =	ssub.s32 s3, s23;
	s8 =	sadd.s32 s8, s2  }
0xc: {  	s23 =	simm.s32 $0x180;
	s22 =	sshrl.u32 s6, $0x3;
	s6 =	smul.u32 $0x2800, s20  }
0xd: {  	s14 =	smax.u32 s3, $0x1;
	s15 =	sadd.s32 $0x4000, s8;
	s16 =	sadd.s32 $0x8000, s8  }
0xe: {  	s17 =	sadd.s32 $0xC000, s8;
	s18 =	sadd.s32 $0x10000, s8;
	s20 =	simm.s32 $0x9  }
0xf: {  	s0 =	sadd.s32 s22, s0;
	s22 =	simm.s32 $0x100;
	s11 =	sshrl.u32 s6, $0x3  }
0x10: {  	s13 =	sadd.s32 $0x65E00, s0;
	s24 =	sadd.s32 s5, s11;
	s12 =	sor.u32 $0x10, s11  }
0x11: {  	s26 =	sadd.s32 s7, s11;
	[dreg:$0x4] =	wrdreg s24;
	s25 =	sadd.s32 s5, s12  }
0x12: {  	[dreg:$0x6] =	wrdreg s26;
	s12 =	sadd.s32 s7, s12;
	s24 =	simm.s32 $0x1  }
0x13: {  	v0 =	vimm.f32 $0.0e+00;
	s26 =	simm.s32 $0x5;
	[dreg:$0x5] =	wrdreg s25;
	s25 =	simm.s32 $0x2  }
.LBB2_1:
0x14: {  	s0 =	simm.s32 $0x0;
	s3 =	simm.s32 $0x200  }
.LBB2_2:
0x15: {  	p0 =	sne.s32 s3, $0xFE00;
	[tilespmem:s0+$0x270] =	vst v0  }
0x16: {  	[tilespmem:s0+$0x200] =	vst v0  }
0x17: {  	[tilespmem:s0+$0x210] =	vst v0  }
.Ltmp0:
0x18: {  	[tilespmem:s0+$0x220] =	vst v0;
	(pc) =	sbr.rel @p0 .LBB2_2-.Ltmp0, $4  }
0x19: {  	[tilespmem:s0+$0x230] =	vst v0  }
0x1a: {  	[tilespmem:s0+$0x240] =	vst v0  }
0x1b: {  	[tilespmem:s0+$0x250] =	vst v0  }
0x1c: {  	[tilespmem:s0+$0x260] =	vst v0;
	s0 =	sshra.s32 s3, $0x2;
	s3 =	sadd.s32 $0x200, s3  }
0x1d: {  	[tilespmem:s0+$0x270] =	vst v0  }
0x1e: {  	[tilespmem:s0+$0x200] =	vst v0  }
0x1f: {  	[tilespmem:s0+$0x210] =	vst v0  }
0x20: {  	[tilespmem:s0+$0x220] =	vst v0  }
0x21: {  	[tilespmem:s0+$0x230] =	vst v0  }
0x22: {  	[tilespmem:s0+$0x240] =	vst v0  }
0x23: {  	[tilespmem:s0+$0x250] =	vst v0  }
0x24: {  	[tilespmem:s0+$0x260] =	vst v0  }
0x25: {  	[spmem:s8] =	stream.linear.scatter [tilespmem:s19], [sflag:$0x9], $0x4000, $0x38;
	[tilespmem:$0x1C200] =	vst v63  }
0x26: {  	_ =	swait.ge [sflag:s20], $0x4000  }
0x27: {  	[sflag:s20] =	ssyncset.done $0x0  }
0x28: {  	[sflag:s20] =	ssyncadd.s32 $0xFFFFC000  }
0x29: {  	[spmem:s15] =	stream.linear.scatter [tilespmem:s19], [sflag:$0x9], $0x4000, $0x38;
	[tilespmem:$0x1C200] =	vst v63  }
0x2a: {  	_ =	swait.ge [sflag:s20], $0x4000  }
0x2b: {  	[sflag:s20] =	ssyncset.done $0x0  }
0x2c: {  	[sflag:s20] =	ssyncadd.s32 $0xFFFFC000  }
0x2d: {  	[spmem:s16] =	stream.linear.scatter [tilespmem:s19], [sflag:$0x9], $0x4000, $0x38;
	[tilespmem:$0x1C200] =	vst v63  }
0x2e: {  	_ =	swait.ge [sflag:s20], $0x4000  }
0x2f: {  	[sflag:s20] =	ssyncset.done $0x0  }
0x30: {  	[sflag:s20] =	ssyncadd.s32 $0xFFFFC000  }
0x31: {  	[spmem:s17] =	stream.linear.scatter [tilespmem:s19], [sflag:$0x9], $0x4000, $0x38;
	[tilespmem:$0x1C200] =	vst v63  }
0x32: {  	_ =	swait.ge [sflag:s20], $0x4000  }
0x33: {  	[sflag:s20] =	ssyncset.done $0x0  }
0x34: {  	[sflag:s20] =	ssyncadd.s32 $0xFFFFC000  }
0x35: {  	[spmem:s18] =	stream.linear.scatter [tilespmem:s19], [sflag:$0x9], $0x4000, $0x38;
	[tilespmem:$0x1C200] =	vst v63  }
0x36: {  	_ =	swait.ge [sflag:s20], $0x4000  }
0x37: {  	[sflag:s20] =	ssyncset.done $0x0  }
0x38: {  	[sflag:s20] =	ssyncadd.s32 $0xFFFFC000  }
0x39: {  	[bflag:$0x0] =	sbarrier.arrive $0xFFFF  }
0x3a: {  	s0 =	simm.s32 $0x0;
	s3 =	rddreg [dreg:$0x4]  }
0x3b: {  	[tilespmem:s0], [sflag:$0x1] =	stream.linear.gather [hbm4b:s3+s0], $0x80, $0x38;
	[tilespmem:$0x1C200] =	vst v63  }
0x3c: {  	s10 =	rddreg [dreg:$0x5]  }
0x3d: {  	[tilespmem:s21], [sflag:$0x2] =	stream.linear.gather [hbm4b:s10+s0], $0x80, $0x38;
	[tilespmem:$0x1C200] =	vst v63  }
0x3e: {  	s11 =	rddreg [dreg:$0x6]  }
0x3f: {  	[tilespmem:s22], [sflag:$0x3] =	stream.linear.gather [hbm4b:s11+s0], $0x80, $0x38;
	[tilespmem:$0x1C200] =	vst v63  }
0x40: {  	_ = 	snop  }
0x41: {  	[tilespmem:s23], [sflag:$0x4] =	stream.linear.gather [hbm4b:s12+s0], $0x80, $0x38;
	[tilespmem:$0x1C200] =	vst v63  }
0x42: {  	_ =	swait.ge [sflag:s24], $0x80  }
0x43: {  	[sflag:s24] =	ssyncset.done $0x0  }
0x44: {  	[sflag:s24] =	ssyncadd.s32 $0xFFFFFF80  }
0x45: {  	[tilespmem:s19], [sflag:$0x5] =	stream.indirect.gather [hbm4b:s1+s21], $0x80, s0, s21, $0xb8;
	[tilespmem:$0x1C200] =	vst v63  }
.LBB2_4:
0x46: {  	_ =	swait.ge [sflag:s25], $0x80  }
0x47: {  	[sflag:s25] =	ssyncset.done $0x0  }
0x48: {  	p0 =	seq.s32 s0, $0x0;
	[sflag:s25] =	ssyncadd.s32 $0xFFFFFF80  }
0x49: {  	s3 =	sand.u32 @!p0 $0x3C00, s0;
	_ =	swait.ge [sflag:s26], $0x4000  }
0x4a: {  	s9 =	sand.u32 @!p0 $0x300, s0;
	s3 =	sadd.s32 @!p0 s6, s3;
	[sflag:s26] =	ssyncset.done $0x0  }
0x4b: {  	s10 =	simm.s32 @!p0 $0x8;
	s3 =	sor.u32 @!p0 s3, s9;
	[sflag:s26] =	ssyncadd.s32 $0xFFFFC000  }
0x4c: {  	s3 =	sor.u32 @!p0 $0x80, s3;
	_ =	swait.ge @!p0 [sflag:s10], $0x4000  }
0x4d: {  	s9 =	simm.s32 @!p0 $0x0;
	s3 =	sshrl.u32 @!p0 s3, $0x3;
	[sflag:s10] =	ssyncset.done @!p0 $0x0  }
0x4e: {  	s3 =	sadd.s32 @!p0 s7, s3;
	[sflag:s10] =	ssyncadd.s32 @!p0 $0xFFFFC000;
	s10 =	simm.s32 @!p0 $0x180  }
0x4f: {  	[tilespmem:s10], [sflag:$0x4] =	stream.linear.gather @!p0 [hbm4b:s3+s9], $0x80, $0x38;
	[tilespmem:$0x1C200] =	vst v63  }
0x50: {  	_ = 	snop  }
0x51: {  	[tilespmem:s28], [sflag:$0x6] =	stream.indirect.gather [hbm4b:s1+s21], $0x80, s21, s21, $0xb8;
	[tilespmem:$0x1C200] =	vst v63  }
0x52: {  	_ =	swait.ge [sflag:s29], $0x80  }
0x53: {  	p0 =	seq.s32 s0, $0x2700;
	[sflag:s29] =	ssyncset.done $0x0  }
0x54: {  	s3 =	simm.s32 @p0 $0x6;
	[sflag:s29] =	ssyncadd.s32 $0xFFFFFF80  }
0x55: {  	[spmem:s2] =	stream.indirect.scatter.add.f32 [tilespmem:s19], [sflag:$0x7], $0x80, s22, s21, $0xb8;
	[tilespmem:$0x1C200] =	vst v63  }
0x56: {  	_ =	swait.ge @p0 [sflag:s3], $0x4000  }
0x57: {  	s9 =	sadd.s32 @!p0 $0x100, s0;
	[sflag:s3] =	ssyncset.done @p0 $0x0  }
0x58: {  	[sflag:s3] =	ssyncadd.s32 @p0 $0xFFFFC000;
	s3 =	sand.u32 @!p0 $0x7C00, s9  }
0x59: {  	s10 =	simm.s32 @p0 $0x7;
	s11 =	sand.u32 @!p0 $0x300, s9;
	s3 =	sadd.s32 @!p0 s6, s3  }
0x5a: {  	_ =	swait.ge @p0 [sflag:s10], $0x4000;
	s3 =	sor.u32 @!p0 s11, s3  }
0x5b: {  	[sflag:s10] =	ssyncset.done @p0 $0x0;
	s3 =	sshrl.u32 @!p0 s3, $0x3  }
0x5c: {  	s11 =	simm.s32 @!p0 $0x0;
	[sflag:s10] =	ssyncadd.s32 @p0 $0xFFFFC000;
	s10 =	sadd.s32 @!p0 s5, s3  }
0x5d: {  	[tilespmem:s11], [sflag:$0x1] =	stream.linear.gather @!p0 [hbm4b:s10+s11], $0x80, $0x38;
	[tilespmem:$0x1C200] =	vst v63  }
0x5e: {  	s10 =	simm.s32 @!p0 $0x6  }
0x5f: {  	_ =	swait.ge @!p0 [sflag:s10], $0x4000  }
0x60: {  	[sflag:s10] =	ssyncset.done @!p0 $0x0  }
0x61: {  	[sflag:s10] =	ssyncadd.s32 @!p0 $0xFFFFC000;
	s10 =	simm.s32 @!p0 $0x7  }
0x62: {  	_ =	swait.ge @!p0 [sflag:s10], $0x4000  }
0x63: {  	[sflag:s10] =	ssyncset.done @!p0 $0x0  }
0x64: {  	s3 =	sadd.s32 @!p0 s7, s3;
	[sflag:s10] =	ssyncadd.s32 @!p0 $0xFFFFC000;
	s10 =	simm.s32 @!p0 $0x100  }
0x65: {  	[tilespmem:s10], [sflag:$0x3] =	stream.linear.gather @!p0 [hbm4b:s3+s11], $0x80, $0x38;
	[tilespmem:$0x1C200] =	vst v63  }
0x66: {  	s3 =	simm.s32 @!p0 $0x1  }
0x67: {  	_ =	swait.ge @!p0 [sflag:s3], $0x80  }
0x68: {  	s0 =	sadd.s32 @!p0 $0x180, s0;
	[sflag:s3] =	ssyncset.done @!p0 $0x0  }
0x69: {  	s10 =	simm.s32 @!p0 $0x200;
	[sflag:s3] =	ssyncadd.s32 @!p0 $0xFFFFFF80;
	s3 =	simm.s32 @!p0 $0x80  }
0x6a: {  	[tilespmem:s10], [sflag:$0x5] =	stream.indirect.gather @!p0 [hbm4b:s1+s3], $0x80, s11, s3, $0xb8;
	[tilespmem:$0x1C200] =	vst v63  }
0x6b: {  	s10 =	sand.u32 @!p0 $0x7C00, s0  }
0x6c: {  	s0 =	sand.u32 @!p0 $0x380, s0;
	_ =	swait.ge [sflag:s30], $0x80;
	s10 =	sadd.s32 @!p0 s6, s10  }
0x6d: {  	[sflag:s30] =	ssyncset.done $0x0;
	s0 =	sor.u32 @!p0 s0, s10  }
0x6e: {  	[sflag:s30] =	ssyncadd.s32 $0xFFFFFF80;
	s0 =	sshrl.u32 @!p0 s0, $0x3  }
0x6f: {  	[spmem:s2] =	stream.indirect.scatter.add.f32 [tilespmem:s28], [sflag:$0x8], $0x80, s23, s21, $0xb8;
	[tilespmem:$0x1C200] =	vst v63  }
0x70: {  	p1 =	sne.s32 @!p0 s9, $0x2800;
	s0 =	sadd.s32 @!p0 s5, s0  }
0x71: {  	[tilespmem:s3], [sflag:$0x2] =	stream.linear.gather @!p0 [hbm4b:s0+s11], $0x80, $0x38;
	[tilespmem:$0x1C200] =	vst v63  }
0x72: {  	p0 =	por p0, !p1  }
.Ltmp1:
0x73: {  	_ = 	snop;
	(pc) =	sbr.rel @!p0 .LBB2_4-.Ltmp1, $2  }
0x74: {  	_ =	sdelay $0x2  }
0x75: {  	s0 =	smov.u32 s9  }
0x76: {  	_ =	swait.ge [sflag:s31], $0x4000;
	s0 =	stileid.u32  }
0x77: {  	s3 =	sshrl.u32 s8, $0x3;
	s4 =	sadd.s32 $0x1, s4;
	[sflag:s31] =	ssyncset.done $0x0  }
0x78: {  	s0 =	sshll.u32 s0, $0x6;
	p0 =	sne.s32 s4, s14;
	[sflag:s31] =	ssyncadd.s32 $0xFFFFC000  }
.Ltmp2:
0x79: {  	s0 =	sor.u32 $0x1C09, s0;
	[bflag:$0x0] =	sbarrier.arrive $0xFFFF;
	(pc) =	sbr.rel @p0 .LBB2_1-.Ltmp2, $4  }
0x7a: {  	[hbm:s13], [sflag:s0] =	dma.local [spmem:s3], $0x2800  }
0x7b: {  	_ =	swait.ge [sflag:s20], $0x2800  }
0x7c: {  	[sflag:s20] =	ssyncset.done $0x0  }
0x7d: {  	[sflag:s20] =	ssyncadd.s32 $0xFFFFD800  }
0x7e: {  	_ =	sfence.sel $0x180000  }
0x7f: {  	[bflag:$0x0] =	sbarrier.arrive $0xFFFF  }
0x80: {  	_ =	strace $0x9000004D  }
0x81: {  	s0 =	stileid.u32;
	[bflag:$0x2] =	sbarrier.arrive $0xFFFF  }
0x82: {  	p0 =	sne.s32 s0, $0x0;
	s0 =	rddreg [dreg:$0x3]  }
0x83: {  	s0 =	sadd.s32 @!p0 $0x100000, s0  }
0x84: {  	[sflag:s0] =	ssyncadd.tile.s32 @!p0 $0x1;
	_ =	shalt  }
.Lfunc_end2:
_tile_overlayer_lowered:
.L_overlay_start_2:
0x85: {  	(tag) =	ssettag $0x2  }
0x86: {  	s0 =	rddreg [dreg:$0x0];
	s2 =	stileid.u32  }
0x87: {  	s1 =	rddreg [dreg:$0x1];
	p0 =	sne.s32 s2, $0x0  }
0x88: {  	s3 =	rddreg [dreg:$0x2];
	[bflag:$0x3] =	sbarrier.arrive $0xFFFF;
	s2 =	simm.s32 @!p0 $0x1C09  }
0x89: {  	[timem:s3], [sflag:s2] =	dma.local @!p0 [hbm:s0], s1  }
0x8a: {  	s0 =	simm.s32 @!p0 $0x9  }
0x8b: {  	_ =	swait.ge @!p0 [sflag:s0], s1  }
0x8c: {  	s1 =	ssub.s32 @!p0 $0x0, s1;
	[sflag:s0] =	ssyncset.done @!p0 $0x0  }
0x8d: {  	[sflag:s0] =	ssyncadd.s32 @!p0 s1  }
0x8e: {  	[bflag:$0x3] =	sbarrier.arrive $0xFFFF  }
0x8f: {  	_ =	shalt  }

// kernel: kernel.8.cloned.1.call-start
scs
__scs_entry_jumppad:
0x0: {  	(pc) =	sbr.rel $0x88, $3  }
0x1: {  	(tag) =	ssettag $0x0;
	lr =	simm.s32 $0x1  }
0x2: {  	[smem:$0x3F9B] =	sst lr;
	_ =	strace $0xD0000000  }
0x3: {  	_ = 	snop  }
0x4: {  	_ = 	snop  }
0x5: {  	_ = 	snop  }
0x6: {  	_ = 	snop  }
0x7: {  	_ = 	snop  }
__scs_overlays_trampoline_lowered:
0x8: {  	[smem:$0x3FAA] =	sst s0  }
0x9: {  	[smem:$0x3FAB] =	sst s1  }
0xa: {  	[smem:$0x3FAC] =	sst s2  }
0xb: {  	[smem:$0x3FAD] =	sst s3  }
0xc: {  	[smem:$0x3FAE] =	sst s4  }
0xd: {  	[smem:$0x3FAF] =	sst s5  }
0xe: {  	[smem:$0x3FB0] =	sst s6  }
0xf: {  	[smem:$0x3FB1] =	sst s7  }
0x10: {  	[smem:$0x3FB2] =	sst s8  }
0x11: {  	[smem:$0x3FB3] =	sst s9;
	s0 =	simm.s32 @!p0 $0x0  }
0x12: {  	s1 =	sld [smem:$0x3F99];
	s0 =	simm.s32 @p0 $0x1  }
0x13: {  	[smem:$0x3FB4] =	sst s0;
	s0 =	simm.s32 @!p1 $0x0  }
0x14: {  	s2 =	sld [smem:$0x3F98];
	s0 =	simm.s32 @p1 $0x1  }
0x15: {  	[smem:$0x3FB5] =	sst s0;
	s0 =	simm.s32 @!p2 $0x0  }
0x16: {  	s3 =	sld [smem:$0x3FDB];
	s0 =	simm.s32 @p2 $0x1  }
0x17: {  	s4 =	simm.s32 $0x1BF5;
	[smem:$0x3FB7] =	sst s0  }
0x18: {  	s0 =	sld [smem:$0x3F9A];
	_ =	swait.ge [sflag:s4], $0x0  }
0x19: {  	s7 =	sld [smem:$0x3F9B]  }
0x1a: {  	s8 =	sadd.s32 $0xFFFFE003, lr  }
0x1b: {  	s9 =	sadd.s32 $0xFFFFFEF7, lr;
	s5 =	simm.s32 $0xFFFFFFFF;
	p2 =	slt.u32 s8, $0xFFFFF086  }
0x1c: {  	p1 =	slt.u32 s9, $0xF7A;
	s5 =	simm.s32 @!p2 $0x0  }
0x1d: {  	s5 =	simm.s32 @p1 $0x1;
	p0 =	seq.s32 s7, s2  }
0x1e: {  	s7 =	smul.u32 @!p0 $0xF7A, s2;
	p2 =	seq.s32 @!p0 s5, $0x0  }
0x1f: {  	s9 =	smul.u32 $0xF7A, s1;
	s8 =	simm.s32 @!p0 $0x1BF5;
	p2 =	por !p2, p0  }
0x20: {  	[sflag:s8] =	ssyncset.s32 @!p0 $0xFFFFF086;
	s6 =	sadd.s32 @!p0 s3, s7;
	s7 =	simm.s32 @!p0 $0x108  }
0x21: {  	s3 =	sadd.s32 s3, s9;
	s6 =	sadd.s32 @!p0 $0x88, s6;
	s7 =	simm.s32 @p2 $0x1082  }
0x22: {  	[simem:s7], [sflag:s8] =	dma.local @!p0 [hbm:s6], $0xF7A  }
0x23: {  	s9 =	sor.u32 $0xD0000000, s2;
	s6 =	simm.s32 $0x108;
	_ =	swait.ge @!p0 [sflag:s8], $0x0  }
0x24: {  	s3 =	sadd.s32 $0x88, s3;
	s6 =	simm.s32 @!p1 $0x1082;
	[sflag:s4] =	ssyncset.s32 $0xFFFFF086  }
0x25: {  	[simem:s6], [sflag:s4] =	dma.local [hbm:s3], $0xF7A  }
0x26: {  	[smem:$0x3F9B] =	sst s1;
	(tag) =	ssettag s2;
	_ =	strace s9  }
0x27: {  	s1 =	sld [smem:$0x3FAB]  }
0x28: {  	s2 =	sld [smem:$0x3FAC]  }
0x29: {  	s4 =	sld [smem:$0x3FAE]  }
0x2a: {  	p0 =	seq.s32 s5, $0x0;
	s5 =	sld [smem:$0x3FAF]  }
0x2b: {  	s6 =	sld [smem:$0x3FB0]  }
0x2c: {  	s7 =	sld [smem:$0x3FB1]  }
0x2d: {  	s3 =	simm.s32 $0x108;
	s8 =	sld [smem:$0x3FB2]  }
0x2e: {  	s3 =	simm.s32 @!p0 $0x1082;
	s9 =	sld [smem:$0x3FB3]  }
0x2f: {  	lr =	sadd.s32 s0, s3;
	s0 =	sld [smem:$0x3FAA]  }
0x30: {  	s3 =	sld [smem:$0x3FAD]  }
0x31: {  	[smem:$0x3FB6] =	sst s10  }
0x32: {  	s10 =	sld [smem:$0x3FB4];
	_ =	sdelay $0x3  }
0x33: {  	p0 =	seq.s32 s10, $0x1;
	s10 =	sld [smem:$0x3FB6];
	_ =	sdelay $0x3  }
0x34: {  	[smem:$0x3FB6] =	sst s10  }
0x35: {  	s10 =	sld [smem:$0x3FB5];
	_ =	sdelay $0x3  }
0x36: {  	p1 =	seq.s32 s10, $0x1;
	s10 =	sld [smem:$0x3FB6];
	_ =	sdelay $0x3  }
0x37: {  	[smem:$0x3FB6] =	sst s10  }
0x38: {  	s10 =	sld [smem:$0x3FB7]  }
0x39: {  	_ = 	snop;
	(pc) =	sbr.ind lr, $3  }
0x3a: {  	_ = 	snop  }
0x3b: {  	_ = 	snop  }
0x3c: {  	p2 =	seq.s32 s10, $0x1;
	s10 =	sld [smem:$0x3FB6]  }
0x3d: {  	_ =	shalt  }
0x3e: {  	_ =	shalt  }
0x3f: {  	_ =	shalt  }
0x40: {  	_ =	shalt  }
0x41: {  	_ =	shalt  }
0x42: {  	_ =	shalt  }
0x43: {  	_ =	shalt  }
0x44: {  	_ =	shalt  }
0x45: {  	_ =	shalt  }
0x46: {  	_ =	shalt  }
0x47: {  	_ =	shalt  }
0x48: {  	_ =	shalt  }
0x49: {  	_ =	shalt  }
0x4a: {  	_ =	shalt  }
0x4b: {  	_ =	shalt  }
0x4c: {  	_ =	shalt  }
0x4d: {  	_ =	shalt  }
0x4e: {  	_ =	shalt  }
0x4f: {  	_ =	shalt  }
0x50: {  	_ =	shalt  }
0x51: {  	_ =	shalt  }
0x52: {  	_ =	shalt  }
0x53: {  	_ =	shalt  }
0x54: {  	_ =	shalt  }
0x55: {  	_ =	shalt  }
0x56: {  	_ =	shalt  }
0x57: {  	_ =	shalt  }
0x58: {  	_ =	shalt  }
0x59: {  	_ =	shalt  }
0x5a: {  	_ =	shalt  }
0x5b: {  	_ =	shalt  }
0x5c: {  	_ =	shalt  }
0x5d: {  	_ =	shalt  }
0x5e: {  	_ =	shalt  }
0x5f: {  	_ =	shalt  }
0x60: {  	_ =	shalt  }
0x61: {  	_ =	shalt  }
0x62: {  	_ =	shalt  }
0x63: {  	_ =	shalt  }
0x64: {  	_ =	shalt  }
0x65: {  	_ =	shalt  }
0x66: {  	_ =	shalt  }
0x67: {  	_ =	shalt  }
0x68: {  	_ =	shalt  }
0x69: {  	_ =	shalt  }
0x6a: {  	_ =	shalt  }
0x6b: {  	_ =	shalt  }
0x6c: {  	_ =	shalt  }
0x6d: {  	_ =	shalt  }
0x6e: {  	_ =	shalt  }
0x6f: {  	_ =	shalt  }
0x70: {  	_ =	shalt  }
0x71: {  	_ =	shalt  }
0x72: {  	_ =	shalt  }
0x73: {  	_ =	shalt  }
0x74: {  	_ =	shalt  }
0x75: {  	_ =	shalt  }
0x76: {  	_ =	shalt  }
0x77: {  	_ =	shalt  }
0x78: {  	_ =	shalt  }
0x79: {  	_ =	shalt  }
0x7a: {  	_ =	shalt  }
0x7b: {  	_ =	shalt  }
0x7c: {  	_ =	shalt  }
0x7d: {  	_ =	shalt  }
0x7e: {  	_ =	shalt  }
0x7f: {  	_ =	shalt  }
0x80: {  	_ =	shalt  }
0x81: {  	_ =	shalt  }
0x82: {  	_ =	shalt  }
0x83: {  	_ =	shalt  }
0x84: {  	_ =	shalt  }
0x85: {  	_ =	shalt  }
0x86: {  	_ =	shalt  }
0x87: {  	_ =	shalt  }
.Lfunc_end0:
.L_simem_size_0:
called_computation_lowered:
.L_overlay_start_0:
0x88: {  	s2 =	sld [smem:$0x3FD9]  }
0x89: {  	s3 =	sld [smem:$0x3FFE];
	_ =	sdelay $0x1  }
0x8a: {  	s1 =	srdreg.scid  }
0x8b: {  	s0 =	sand.u32 $0x1, s1  }
0x8c: {  	s17 =	sshll.u32 s0, $0xA;
	s2 =	sadd.s32 s3, s2  }
0x8d: {  	s2 =	sadd.s32 s2, s17  }
0x8e: {  	[smem:$0x3FC2] =	sst s2  }
0x8f: {  	_ = 	snop  }
0x90: {  	s2 =	sld [smem:$0x3FD0];
	(tm) =	ssettm $0x1  }
0x91: {  	s18 =	sld [smem:$0x3FFB];
	_ =	sdelay $0x3  }
0x92: {  	_ =	strace s18  }
0x93: {  	s3 =	sld [smem:$0x3FFC];
	_ =	sdelay $0x3  }
0x94: {  	_ =	strace s3  }
0x95: {  	s3 =	sld [smem:$0x3FFD];
	_ =	sdelay $0x3  }
0x96: {  	_ =	strace s3  }
0x97: {  	_ =	strace $0x8FFFFFFF  }
0x98: {  	s19 =	sld [smem:$0x3FDB];
	_ =	sdelay $0x1  }
0x99: {  	s4 =	simm.s32 $_scs_section_size  }
0x9a: {  	s5 =	simm.s32 $_size__tile_overlayer_lowered;
	s6 =	simm.s32 $_tile_overlayer_lowered  }
0x9b: {  	s22 =	simm.s32 $0x1BFF;
	s21 =	sshll.u32 s6, $0x1;
	s3 =	sadd.s32 s4, s19  }
0x9c: {  	s7 =	simm.s32 $0x0;
	s20 =	sshll.u32 s5, $0x1;
	s5 =	sadd.s32 s21, s3  }
0x9d: {  	[timem:s7], [sflag:s22] =	dma.local [hbm:s5], s20  }
0x9e: {  	_ =	swait.ge [sflag:s22], s20  }
0x9f: {  	s4 =	ssub.s32 $0x0, s20;
	[sflag:s22] =	ssyncset.done $0x0  }
0xa0: {  	[sflag:s22] =	ssyncadd.s32 s4;
	_ =	sdelay $0x1  }
0xa1: {  	s23 =	simm.s32 $0x1B8B  }
0xa2: {  	_ =	swait.ge [sflag:s23], $0x1  }
0xa3: {  	[sflag:s23] =	ssyncset.done $0x0  }
0xa4: {  	s25 =	simm.s32 $0x1B8E;
	s24 =	sld [smem:$0x3FFE];
	[sflag:s23] =	ssyncadd.s32 $0xFFFFFFFF  }
0xa5: {  	s26 =	simm.s32 $execute0_lowered;
	[smem:$0x3FD2] =	sst s25  }
0xa6: {  	s5 =	sshll.u32 s26, $0x1;
	_ =	strace $0x80000046;
	[dreg:$0x1] =	wrdreg $0xFFFFFFFF  }
0xa7: {  	s28 =	simm.s32 $_size_execute0_lowered;
	s3 =	sadd.s32 s3, s5;
	[dreg:$0x0] =	wrdreg $0x0  }
0xa8: {  	s5 =	sshll.u32 s28, $0x1;
	[dreg:$0x2] =	wrdreg s3  }
0xa9: {  	[dreg:$0x3] =	wrdreg s5  }
0xaa: {  	[dreg:$0x4] =	wrdreg $0xC0  }
0xab: {  	_ =	task [dreg:s7], $0x5FFFF  }
0xac: {  	[dreg:$0x1] =	wrdreg $0xFFFFFFFF  }
0xad: {  	[dreg:$0x0] =	wrdreg $0x60  }
0xae: {  	[dreg:$0x2] =	wrdreg s24  }
0xaf: {  	[dreg:$0x3] =	wrdreg s2  }
0xb0: {  	[dreg:$0x4] =	wrdreg $0x2B000  }
0xb1: {  	[dreg:$0x5] =	wrdreg $0x9  }
0xb2: {  	_ =	task.clear_ibuf [dreg:s7], $0x6FFFF;
	_ =	strace $0x90000046  }
0xb3: {  	s29 =	simm.s32 $0x9;
	_ =	strace $0x80000048  }
0xb4: {  	_ =	swait.ge [sflag:s29], $0x1  }
0xb5: {  	[sflag:s29] =	ssyncadd.s32 $0xFFFFFFFF  }
0xb6: {  	_ =	strace $0x90000048  }
0xb7: {  	_ =	sfence  }
0xb8: {  	s30 =	sld [smem:$0x0];
	_ =	sdelay $0x2  }
0xb9: {  	s31 =	sshll.u32 s1, $0xD;
	s1 =	sshrl.u32 s1, $0x2  }
0xba: {  	s3 =	sand.u32 $0x4000, s31;
	s1 =	sadd.s32 s1, s30  }
0xbb: {  	s0 =	sor.u32 s3, s0;
	s1 =	sshll.u32 s1, $0x11  }
0xbc: {  	s0 =	sor.u32 s1, s0  }
0xbd: {  	s0 =	sadd.s32 $0x8F2B, s0  }
0xbe: {  	[sflag:s0] =	ssyncadd.remote.s32 $0x1  }
0xbf: {  	_ =	sfence.sel $0xFFFF  }
0xc0: {  	[dreg:$0x0] =	wrdreg $0xFFFFFFFF;
	(pc) =	sbr.abs _section_cstart, $3  }
0xc1: {  	[dreg:$0x1] =	wrdreg $0xFFFFFFFF  }
0xc2: {  	_ =	task.clear_ibuf [dreg:s7], $0x2FFFF;
	_ =	strace $0x9FFFFFFF  }
0xc3: {  	(tm) =	ssettm $0x7FFFFFFF  }
tec
execute0_lowered:
.L_overlay_start_1:
0x0: {  	(tag) =	ssettag $0x1  }
0x1: {  	s4 =	rddreg [dreg:$0x0]  }
0x2: {  	s6 =	rddreg [dreg:$0x1]  }
0x3: {  	s0 =	srdreg.scid;
	s2 =	rddreg [dreg:$0x2]  }
0x4: {  	s3 =	simm.s32 $0x0;
	s11 =	simm.s32 $0x2800;
	s14 =	simm.s32 $0x20  }
0x5: {  	s15 =	simm.s32 $0x10;
	s5 =	sand.u32 $0x1, s0;
	s0 =	stileid.u32  }
0x6: {  	s16 =	simm.s32 $0x0;
	[smem:$0x7FF] =	sst s3;
	s8 =	smul.u32 $0xA00, s0  }
0x7: {  	s1 =	sshll.u32 s5, $0x4;
	s9 =	ssub.s32 $0x2, s5;
	s10 =	smul.u32 $0x500, s0  }
0x8: {  	s5 =	sshll.u32 s5, $0x7;
	s12 =	sshll.u32 s0, $0x6;
	s7 =	sor.u32 s0, s1  }
0x9: {  	s1 =	rddreg [dreg:$0x3];
	_ =	strace $0x80000047;
	s28 =	sshrl.u32 s9, $0x1  }
0xa: {  	s12 =	sor.u32 $0x1C01, s12;
	s7 =	smul.u32 $0x500, s7;
	s9 =	ssub.s32 s9, s28  }
0xb: {  	s29 =	sshrl.u32 s8, $0x2;
	s30 =	sor.u32 s5, s10;
	s8 =	simm.s32 $0x2880  }
0xc: {  	s10 =	simm.s32 $0x80;
	s31 =	sshrl.u32 s30, $0x3;
	s7 =	sadd.s32 s7, s4  }
0xd: {  	s4 =	sadd.s32 s29, s2;
	s6 =	sadd.s32 s6, s31;
	s5 =	sadd.s32 $0x1E00, s7  }
0xe: {  	v0 =	vimm.f32 $0.0e+00;
	v1 =	vimm.f32 $1.000000000e+00;
	s7 =	smax.u32 s9, $0x1;
	s9 =	simm.s32 $0x1;
	s13 =	sshrl.u32 s4, $0x3  }
.LBB2_1:
0xf: {  	[tilespmem:$0x2880] =	vst v0  }
0x10: {  	[tilespmem:$0x2890] =	vst v0  }
0x11: {  	[tilespmem:$0x28A0] =	vst v0  }
0x12: {  	[tilespmem:$0x28B0] =	vst v0  }
0x13: {  	[tilespmem:$0x28C0] =	vst v0  }
0x14: {  	[tilespmem:$0x28D0] =	vst v0  }
0x15: {  	[tilespmem:$0x28E0] =	vst v0  }
0x16: {  	[tilespmem:$0x28F0] =	vst v0  }
0x17: {  	[tilespmem:$0x2900] =	vst v0  }
0x18: {  	[tilespmem:$0x2910] =	vst v0  }
0x19: {  	[tilespmem:$0x2920] =	vst v0  }
0x1a: {  	[tilespmem:$0x2930] =	vst v0  }
0x1b: {  	[tilespmem:$0x2940] =	vst v0  }
0x1c: {  	[tilespmem:$0x2950] =	vst v0  }
0x1d: {  	[tilespmem:$0x2960] =	vst v0  }
0x1e: {  	[tilespmem:$0x2970] =	vst v0  }
0x1f: {  	[tilespmem:$0x2980] =	vst v0  }
0x20: {  	[tilespmem:$0x2990] =	vst v0  }
0x21: {  	[tilespmem:$0x29A0] =	vst v0  }
0x22: {  	[tilespmem:$0x29B0] =	vst v0  }
0x23: {  	[tilespmem:$0x29C0] =	vst v0  }
0x24: {  	[tilespmem:$0x29D0] =	vst v0  }
0x25: {  	[tilespmem:$0x29E0] =	vst v0  }
0x26: {  	[tilespmem:$0x29F0] =	vst v0  }
0x27: {  	[tilespmem:$0x2A00] =	vst v0  }
0x28: {  	[tilespmem:$0x2A10] =	vst v0  }
0x29: {  	[tilespmem:$0x2A20] =	vst v0  }
0x2a: {  	[tilespmem:$0x2A30] =	vst v0  }
0x2b: {  	[tilespmem:$0x2A40] =	vst v0  }
0x2c: {  	[tilespmem:$0x2A50] =	vst v0  }
0x2d: {  	[tilespmem:$0x2A60] =	vst v0  }
0x2e: {  	[tilespmem:$0x2A70] =	vst v0  }
0x2f: {  	[tilespmem:$0x2A80] =	vst v0  }
0x30: {  	[tilespmem:$0x2A90] =	vst v0  }
0x31: {  	[tilespmem:$0x2AA0] =	vst v0  }
0x32: {  	[tilespmem:$0x2AB0] =	vst v0  }
0x33: {  	[tilespmem:$0x2AC0] =	vst v0  }
0x34: {  	[tilespmem:$0x2AD0] =	vst v0  }
0x35: {  	[tilespmem:$0x2AE0] =	vst v0  }
0x36: {  	[tilespmem:$0x2AF0] =	vst v0  }
0x37: {  	[tilespmem:$0x2800] =	vst v1  }
0x38: {  	[tilespmem:$0x2810] =	vst v1  }
0x39: {  	[tilespmem:$0x2820] =	vst v1  }
0x3a: {  	[tilespmem:$0x2830] =	vst v1  }
0x3b: {  	[tilespmem:$0x2840] =	vst v1  }
0x3c: {  	[tilespmem:$0x2850] =	vst v1  }
0x3d: {  	[tilespmem:$0x2860] =	vst v1  }
0x3e: {  	[tilespmem:$0x2870] =	vst v1  }
0x3f: {  	[spmem:s4] =	stream.linear.scatter [tilespmem:s8], [sflag:$0x1], $0x280, $0x38;
	[tilespmem:$0x2D80] =	vst v63  }
0x40: {  	_ =	swait.ge [sflag:s9], $0x280  }
0x41: {  	[sflag:s9] =	ssyncset.done $0x0  }
0x42: {  	[sflag:s9] =	ssyncadd.s32 $0xFFFFFD80  }
0x43: {  	[tilespmem:s3], [sflag:$0x1] =	stream.linear.gather [hbm4b:s5+s3], $0x2800, $0x38;
	[tilespmem:$0x2D80] =	vst v63  }
0x44: {  	_ =	swait.ge [sflag:s9], $0x2800  }
0x45: {  	[sflag:s9] =	ssyncset.done $0x0  }
0x46: {  	[sflag:s9] =	ssyncadd.s32 $0xFFFFD800  }
0x47: {  	s17 =	simm.s32 $0x0;
	[bflag:$0x0] =	sbarrier.arrive $0xFFFF  }
0x48: {  	[spmem:s2] =	stream.indirect.scatter.add.f32 [tilespmem:s11], [sflag:$0x1], $0x1, s17, s10, $0xb8;
	[tilespmem:$0x2D80] =	vst v63  }
0x49: {  	_ =	swait.ge [sflag:s9], $0x80  }
0x4a: {  	s17 =	simm.s32 $0x200;
	[sflag:s9] =	ssyncset.done $0x0  }
.LBB2_2:
0x4b: {  	s18 =	sshra.s32 s17, $0x2;
	[sflag:s9] =	ssyncadd.s32 $0xFFFFFF80;
	p0 =	sne.s32 s17, $0x9E00  }
0x4c: {  	[spmem:s2] =	stream.indirect.scatter.add.f32 [tilespmem:s11], [sflag:$0x1], $0x1, s18, s10, $0xb8;
	[tilespmem:$0x2D80] =	vst v63  }
.Ltmp0:
0x4d: {  	_ = 	snop;
	(pc) =	sbr.rel @p0 .LBB2_2-.Ltmp0, $4  }
0x4e: {  	_ = 	snop  }
0x4f: {  	s17 =	sadd.s32 $0x200, s17  }
0x50: {  	_ =	swait.ge [sflag:s9], $0x80  }
0x51: {  	[sflag:s9] =	ssyncset.done $0x0  }
0x52: {  	s16 =	sadd.s32 $0x1, s16  }
0x53: {  	[sflag:s9] =	ssyncadd.s32 $0xFFFFFF80;
	p0 =	sne.s32 s16, s7  }
.Ltmp1:
0x54: {  	[bflag:$0x0] =	sbarrier.arrive $0xFFFF;
	(pc) =	sbr.rel @p0 .LBB2_1-.Ltmp1, $4  }
0x55: {  	[hbm:s6@s14], [sflag:s12] =	dma.strided [spmem:s13@s15], $0x50, s9, $0x10   }
0x56: {  	_ =	swait.ge [sflag:s9], $0x50  }
0x57: {  	[sflag:s9] =	ssyncset.done $0x0  }
0x58: {  	[sflag:s9] =	ssyncadd.s32 $0xFFFFFFB0  }
0x59: {  	_ =	sfence.sel $0x180000  }
0x5a: {  	[bflag:$0x0] =	sbarrier.arrive $0xFFFF  }
0x5b: {  	p0 =	sne.s32 s0, $0x0;
	_ =	strace $0x90000047  }
0x5c: {  	s0 =	sadd.s32 @!p0 $0x100000, s1;
	[bflag:$0x2] =	sbarrier.arrive $0xFFFF  }
0x5d: {  	[sflag:s0] =	ssyncadd.tile.s32 @!p0 $0x1;
	_ =	shalt  }
.Lfunc_end2:
_tile_overlayer_lowered:
.L_overlay_start_2:
0x5e: {  	(tag) =	ssettag $0x2  }
0x5f: {  	s0 =	rddreg [dreg:$0x0];
	s2 =	stileid.u32  }
0x60: {  	s1 =	rddreg [dreg:$0x1];
	p0 =	sne.s32 s2, $0x0  }
0x61: {  	s3 =	rddreg [dreg:$0x2];
	[bflag:$0x3] =	sbarrier.arrive $0xFFFF;
	s2 =	simm.s32 @!p0 $0x1C01  }
0x62: {  	[timem:s3], [sflag:s2] =	dma.local @!p0 [hbm:s0], s1  }
0x63: {  	s0 =	simm.s32 @!p0 $0x1  }
0x64: {  	_ =	swait.ge @!p0 [sflag:s0], s1  }
0x65: {  	s1 =	ssub.s32 @!p0 $0x0, s1;
	[sflag:s0] =	ssyncset.done @!p0 $0x0  }
0x66: {  	[sflag:s0] =	ssyncadd.s32 @!p0 s1  }
0x67: {  	[bflag:$0x3] =	sbarrier.arrive $0xFFFF  }
0x68: {  	_ =	shalt  }

</sc_bundles>
